<compile_context>
chip_gen: v7x
topology: tpu7x:2x2x1
jax: 0.10.2.dev20260603
libtpu: 0.0.44.dev20260713+nightly
codegen_flags: <defaults>
</compile_context>

<pallas_src>
import functools

import jax
import jax.numpy as jnp
from jax import lax
from jax.experimental import pallas as pl
from jax.experimental.pallas import tpu as pltpu
from jax.experimental.pallas import tpu_sc as plsc

B, N, D, C = 16, 1000, 512, 200
K = 250
K_PAD = 256
PERCENT = 0.25
NW = 32
RPW = B * K_PAD // NW
BPS = 2
CPS = 4


def _phase_a(adj_ref, mask_ref, assign_ref, ai_ref, idx_ref, rm_ref):
    g = pl.program_id(0)
    ii = lax.broadcasted_iota(jnp.int32, (N, N), 1)
    jj = lax.broadcasted_iota(jnp.int32, (N, N), 0)
    tri = jj < ii
    for t in range(BPS):
        adj2 = adj_ref[t]
        m = mask_ref[t][0]
        acc = adj2[:, 0:128] + adj2[:, 128:256]
        for c in range(2, 7):
            acc = acc + adj2[:, c * 128:(c + 1) * 128]
        acc = acc + jnp.concatenate(
            [adj2[:, 896:1000], jnp.zeros((N, 24), jnp.float32)], axis=1)
        s = jnp.sum(acc.T, axis=0)
        s = jnp.where(m > 0, s, -jnp.inf)

        srow = s[None, :]
        scol = s[:, None]
        loses = jnp.where((scol > srow) | ((scol == srow) & tri),
                          1.0, 0.0)
        ones_row = jnp.ones((1, N), jnp.float32)
        rank = jnp.dot(ones_row, loses,
                       preferred_element_type=jnp.float32).astype(jnp.int32)

        rvals = lax.broadcasted_iota(jnp.int32, (K_PAD, N), 0)
        P = jnp.where(rvals == rank, 1.0, 0.0)

        a_inter = jnp.dot(P, assign_ref[t],
                          preferred_element_type=jnp.float32)
        ai_ref[t] = a_inter.astype(jnp.bfloat16)

        idig = lax.broadcasted_iota(jnp.int32, (N, 2), 0)
        dsel = lax.broadcasted_iota(jnp.int32, (N, 2), 1)
        digits = jnp.where(dsel == 0, idig // 128,
                           idig % 128).astype(jnp.float32)
        pair = jnp.dot(P, digits, preferred_element_type=jnp.float32)
        idx = pair[:, 0:1] * 128.0 + pair[:, 1:2]
        idx_ref[t] = idx.astype(jnp.int32) + (g * BPS + t) * N

        k_per = jnp.ceil(PERCENT * jnp.sum(m)).astype(jnp.int32)
        rowmask = (lax.broadcasted_iota(jnp.int32, (K_PAD, 1), 0) < k_per)
        rm_ref[t] = rowmask.astype(jnp.float32)


def _sc_gather(x_hbm, idx_hbm, out_hbm, idx_v, rows_v, sem):
    wid = lax.axis_index("s") * 2 + lax.axis_index("c")
    b = wid // 2
    half = wid % 2
    pltpu.sync_copy(idx_hbm.at[pl.ds(wid * RPW, RPW)], idx_v)
    pltpu.async_copy(x_hbm.at[idx_v], rows_v, sem).wait()
    pltpu.sync_copy(rows_v, out_hbm.at[b, pl.ds(half * RPW, RPW)])


def _phase_c(ai_ref, hf_ref, hc_ref, w_ref, rm_ref, out_ref):
    for t in range(CPS):
        o = jnp.dot(ai_ref[t], hc_ref[t].astype(jnp.bfloat16),
                    preferred_element_type=jnp.float32) + hf_ref[t]
        o = jnp.dot(o, w_ref[...])
        o = jnp.maximum(o, 0.0)
        o = o * rm_ref[t]
        out_ref[t] = o[:K, :]


@jax.jit
def kernel(X, adj, mask, assign_matrix, H_coarse, W_inter):
    mask3 = mask.reshape(B, 1, N)

    ai, idx, rm = pl.pallas_call(
        _phase_a,
        grid=(B // BPS,),
        in_specs=[
            pl.BlockSpec((BPS, N, N), lambda b: (b, 0, 0)),
            pl.BlockSpec((BPS, 1, N), lambda b: (b, 0, 0)),
            pl.BlockSpec((BPS, N, C), lambda b: (b, 0, 0)),
        ],
        out_specs=[
            pl.BlockSpec((BPS, K_PAD, C), lambda b: (b, 0, 0)),
            pl.BlockSpec((BPS, K_PAD, 1), lambda b: (b, 0, 0)),
            pl.BlockSpec((BPS, K_PAD, 1), lambda b: (b, 0, 0)),
        ],
        out_shape=[
            jax.ShapeDtypeStruct((B, K_PAD, C), jnp.bfloat16),
            jax.ShapeDtypeStruct((B, K_PAD, 1), jnp.int32),
            jax.ShapeDtypeStruct((B, K_PAD, 1), jnp.float32),
        ],
    )(adj, mask3, assign_matrix)

    x2 = X.reshape(B * N, D)
    idx_flat = idx.reshape(B * K_PAD)

    mesh = plsc.VectorSubcoreMesh(core_axis_name="c", subcore_axis_name="s")
    gather = functools.partial(
        pl.kernel,
        out_type=jax.ShapeDtypeStruct((B, K_PAD, D), jnp.float32),
        mesh=mesh,
        scratch_types=[
            pltpu.VMEM((RPW,), jnp.int32),
            pltpu.VMEM((RPW, D), jnp.float32),
            pltpu.SemaphoreType.DMA,
        ],
    )(_sc_gather)
    h_fine = gather(x2, idx_flat)

    out = pl.pallas_call(
        _phase_c,
        grid=(B // CPS,),
        in_specs=[
            pl.BlockSpec((CPS, K_PAD, C), lambda b: (b, 0, 0)),
            pl.BlockSpec((CPS, K_PAD, D), lambda b: (b, 0, 0)),
            pl.BlockSpec((CPS, C, D), lambda b: (b, 0, 0)),
            pl.BlockSpec((D, D), lambda b: (0, 0)),
            pl.BlockSpec((CPS, K_PAD, 1), lambda b: (b, 0, 0)),
        ],
        out_specs=pl.BlockSpec((CPS, K, D), lambda b: (b, 0, 0)),
        out_shape=jax.ShapeDtypeStruct((B, K, D), jnp.float32),
    )(ai, h_fine, H_coarse, W_inter, rm)
    return out

# --- scband reference (transcript-rebuilt; emitter-appended) ---
"""Pipeline reference for scband-degree-pick-block-66108136620090 (READ-ONLY COPY).

The authoritative reference and input builder live on the scoring server;
editing this copy changes nothing except your own understanding.
"""

import jax, jax.numpy as jnp
import numpy as np
import math

PERCENT = 0.25
ASSIGN_RATIO = 0.2
MAX_NODES = 1000
HIDDEN = 512


def setup_inputs(seed: int = 0) -> dict:
    key = jax.random.key(seed)
    ks = jax.random.split(key, 6)
    B, N, D, C = 16, 1000, 512, 200
    X = jax.random.normal(ks[0], (B, N, D), dtype=jnp.float32)
    adj = jax.random.uniform(ks[1], (B, N, N), dtype=jnp.float32)
    mask = jnp.ones((B, N), dtype=jnp.float32)
    assign_matrix = jax.random.uniform(ks[2], (B, N, C), dtype=jnp.float32)
    H_coarse = jax.random.normal(ks[3], (B, C, D), dtype=jnp.float32)
    # InterChannelGCN weight (xavier_normal: std = sqrt(2/(fan_in+fan_out)))
    W_inter = jax.random.normal(ks[4], (D, D), dtype=jnp.float32) * math.sqrt(2.0 / (D + D))
    return {"X": X, "adj": adj, "mask": mask, "assign_matrix": assign_matrix, "H_coarse": H_coarse, "W_inter": W_inter}


def reference(X, adj, mask, assign_matrix, H_coarse, W_inter):
    # DegreePickBlock.forward with channel_1 == 'degrees'
    k_max = int(math.ceil(PERCENT * adj.shape[-1]))
    # node scores = degrees
    scores = adj.sum(axis=-1)  # [B, N]
    # mask out invalid nodes before top-k pick
    scores = jnp.where(mask > 0, scores, -jnp.inf)
    top_vals, top_idx = jax.lax.top_k(scores, k_max)  # [B, k_max]
    # per-sample k_list = ceil(percent * num_valid_nodes) -> new_mask
    k_per = jnp.ceil(PERCENT * mask.sum(axis=1)).astype(jnp.int32)  # [B]
    new_mask = (jnp.arange(k_max)[None, :] < k_per[:, None]).astype(X.dtype)  # [B, k_max]
    # gather picked node features (top-k masking / node pick)
    H_fine = jnp.take_along_axis(X, top_idx[:, :, None], axis=1)  # [B, k_max, D]
    # inter-channel GCN: combine coarse-graph embedding via assign matrix rows of picked nodes
    A_inter = jnp.take_along_axis(assign_matrix, top_idx[:, :, None], axis=1)  # [B, k_max, C]
    out = jnp.matmul(A_inter, H_coarse)  # [B, k_max, D]
    out = out + H_fine  # add_self=True
    out = jnp.matmul(out, W_inter)
    out = jax.nn.relu(out)
    out = out * new_mask[:, :, None]
    return out

if __name__ == "__main__":
    import jax
    _d = setup_inputs()
    print(jax.jit(kernel)(*tuple(_d.values())))

</pallas_src>

<mosaic_0001>
#map = affine_map<(d0, d1) -> (0, 0)>
#map1 = affine_map<(d0, d1) -> (0)>
#map2 = affine_map<(d0, d1) -> (0, 0, 0)>
module attributes {stable_mosaic.version = 14 : i64} {
  func.func @_sc_gather(%arg0: i32, %arg1: i32, %arg2: memref<16000x512xf32, #tpu.memory_space<hbm>>, %arg3: memref<4096xi32, #tpu.memory_space<hbm>>, %arg4: memref<16x256x512xf32, #tpu.memory_space<hbm>>, %arg5: memref<128xi32, #tpu.memory_space<vmem>>, %arg6: memref<128x512xf32, #tpu.memory_space<vmem>>, %arg7: memref<!tpu.dma_semaphore, #tpu.memory_space<semaphore_mem>>) attributes {dimension_semantics = [#tpu.dimension_semantics<core_parallel>, #tpu.dimension_semantics<subcore_parallel>], iteration_bounds = array<i64: 2, 16>, scalar_prefetch = 0 : i64, scratch_operands = 3 : i64, tpu.core_type = #tpu.core_type<sc_vector_subcore>, window_params = [{transform_indices = #map}, {transform_indices = #map1}, {transform_indices = #map2}]} {
    %mul3A = arith.constant 2 : i32
    %mul3A_0 = arith.muli %arg1, %mul3A : i32
    %add3A = arith.addi %mul3A_0, %arg0 : i32
    %jit3A = arith.constant 2 : i32
    %div3A = arith.divsi %add3A, %jit3A : i32
    %sign3A = arith.constant 0 : i32
    %sign3A_1 = arith.cmpi sgt, %add3A, %sign3A : i32
    %sign3A_2 = arith.extui %sign3A_1 : i1 to i32
    %sign3A_3 = arith.constant 0 : i32
    %sign3A_4 = arith.cmpi slt, %add3A, %sign3A_3 : i32
    %sign3A_5 = arith.extui %sign3A_4 : i1 to i32
    %sign3A_6 = arith.subi %sign3A_2, %sign3A_5 : i32
    %sign3A_7 = arith.constant 0 : i32
    %sign3A_8 = arith.cmpi sgt, %jit3A, %sign3A_7 : i32
    %sign3A_9 = arith.extui %sign3A_8 : i1 to i32
    %sign3A_10 = arith.constant 0 : i32
    %sign3A_11 = arith.cmpi slt, %jit3A, %sign3A_10 : i32
    %sign3A_12 = arith.extui %sign3A_11 : i1 to i32
    %sign3A_13 = arith.subi %sign3A_9, %sign3A_12 : i32
    %ne3A = arith.cmpi ne, %sign3A_6, %sign3A_13 : i32
    %rem3A = arith.remsi %add3A, %jit3A : i32
    %ne3A_14 = arith.constant 0 : i32
    %ne3A_15 = arith.cmpi ne, %rem3A, %ne3A_14 : i32
    %and3A = arith.andi %ne3A, %ne3A_15 : i1
    %sub3A = arith.constant 1 : i32
    %sub3A_16 = arith.subi %div3A, %sub3A : i32
    %select_n3A = arith.select %and3A, %sub3A_16, %div3A : i32
    %jit3A_17 = arith.constant 2 : i32
    %eq3A = arith.constant 0 : i32
    %eq3A_18 = arith.cmpi eq, %jit3A_17, %eq3A : i32
    %jit3A_19 = arith.constant 1 : i32
    %select_n3A_20 = arith.select %eq3A_18, %jit3A_19, %jit3A_17 : i32
    %rem3A_21 = arith.remsi %add3A, %select_n3A_20 : i32
    %ne3A_22 = arith.constant 0 : i32
    %ne3A_23 = arith.cmpi ne, %rem3A_21, %ne3A_22 : i32
    %lt3A = arith.constant 0 : i32
    %lt3A_24 = arith.cmpi slt, %rem3A_21, %lt3A : i32
    %lt3A_25 = arith.constant 0 : i32
    %lt3A_26 = arith.cmpi slt, %select_n3A_20, %lt3A_25 : i32
    %ne3A_27 = arith.xori %lt3A_24, %lt3A_26 : i1
    %and3A_28 = arith.andi %ne3A_27, %ne3A_23 : i1
    %add3A_29 = arith.addi %rem3A_21, %select_n3A_20 : i32
    %select_n3A_30 = arith.select %and3A_28, %add3A_29, %rem3A_21 : i32
    %mul3A_31 = arith.constant 128 : i32
    %mul3A_32 = arith.muli %add3A, %mul3A_31 : i32
    "tpu.region"() ({
      %run_scoped3A = tpu.sem_alloc : memref<!tpu.dma_semaphore, #tpu.memory_space<semaphore_mem>>
      %dma_start3A_39 = tpu.memref_slice %arg3[%mul3A_32] : memref<4096xi32, #tpu.memory_space<hbm>> -> memref<128xi32, #tpu.memory_space<hbm>>
      %dma_start3A_40 = tpu.memref_slice %arg3[%mul3A_32] : memref<4096xi32, #tpu.memory_space<hbm>> -> memref<128xi32, #tpu.memory_space<hbm>>
      tpu.enqueue_dma source(%dma_start3A_40 : memref<128xi32, #tpu.memory_space<hbm>>) target(%arg5 : memref<128xi32, #tpu.memory_space<vmem>>) target_semaphore(%run_scoped3A : memref<!tpu.dma_semaphore, #tpu.memory_space<semaphore_mem>>)
      %dma_wait3A_41 = tpu.memref_slice %arg3[%mul3A_32] : memref<4096xi32, #tpu.memory_space<hbm>> -> memref<128xi32, #tpu.memory_space<hbm>>
      %dma_wait3A_42 = tpu.memref_slice %arg3[%mul3A_32] : memref<4096xi32, #tpu.memory_space<hbm>> -> memref<128xi32, #tpu.memory_space<hbm>>
      tpu.wait_dma2 semaphore(%run_scoped3A : memref<!tpu.dma_semaphore, #tpu.memory_space<semaphore_mem>>) src(%dma_wait3A_42 : memref<128xi32, #tpu.memory_space<hbm>>) dst(%arg5 : memref<128xi32, #tpu.memory_space<vmem>>)
      tpu.yield
    }) : () -> ()
    %dma_start3A = arith.constant 0 : i32
    %dma_start3A_33 = arith.constant 0 : i32
    %dma_start3A_34 = tpu.memref_slice %arg2[%dma_start3A, %dma_start3A_33] : memref<16000x512xf32, #tpu.memory_space<hbm>> -> memref<16000x512xf32, #tpu.memory_space<hbm>>
    tpu.enqueue_indirect_dma source(%dma_start3A_34 : memref<16000x512xf32, #tpu.memory_space<hbm>>) target(%arg6 : memref<128x512xf32, #tpu.memory_space<vmem>>) offsets(%arg5 : memref<128xi32, #tpu.memory_space<vmem>>) semaphore(%arg7 : memref<!tpu.dma_semaphore, #tpu.memory_space<semaphore_mem>>)
    %dma_wait3A = arith.constant 0 : i32
    %dma_wait3A_35 = arith.constant 0 : i32
    %dma_wait3A_36 = tpu.memref_slice %arg2[%dma_wait3A, %dma_wait3A_35] : memref<16000x512xf32, #tpu.memory_space<hbm>> -> memref<16000x512xf32, #tpu.memory_space<hbm>>
    tpu.wait_indirect_dma semaphore(%arg7 : memref<!tpu.dma_semaphore, #tpu.memory_space<semaphore_mem>>) src(%dma_wait3A_36 : memref<16000x512xf32, #tpu.memory_space<hbm>>) dst(%arg6 : memref<128x512xf32, #tpu.memory_space<vmem>>)
    %mul3A_37 = arith.constant 128 : i32
    %mul3A_38 = arith.muli %select_n3A_30, %mul3A_37 : i32
    "tpu.region"() ({
      %run_scoped3A = tpu.sem_alloc : memref<!tpu.dma_semaphore, #tpu.memory_space<semaphore_mem>>
      %dma_start3A_39 = arith.constant 0 : i32
      %dma_start3A_40 = tpu.memref_slice %arg4[%select_n3A, %mul3A_38, %dma_start3A_39] : memref<16x256x512xf32, #tpu.memory_space<hbm>> -> memref<1x128x512xf32, #tpu.memory_space<hbm>>
      %dma_start3A_41 = tpu.memref_squeeze %dma_start3A_40 : memref<1x128x512xf32, #tpu.memory_space<hbm>> -> memref<128x512xf32, #tpu.memory_space<hbm>>
      %dma_start3A_42 = arith.constant 0 : i32
      %dma_start3A_43 = tpu.memref_slice %arg4[%select_n3A, %mul3A_38, %dma_start3A_42] : memref<16x256x512xf32, #tpu.memory_space<hbm>> -> memref<1x128x512xf32, #tpu.memory_space<hbm>>
      %dma_start3A_44 = tpu.memref_squeeze %dma_start3A_43 : memref<1x128x512xf32, #tpu.memory_space<hbm>> -> memref<128x512xf32, #tpu.memory_space<hbm>>
      tpu.enqueue_dma source(%arg6 : memref<128x512xf32, #tpu.memory_space<vmem>>) target(%dma_start3A_44 : memref<128x512xf32, #tpu.memory_space<hbm>>) target_semaphore(%run_scoped3A : memref<!tpu.dma_semaphore, #tpu.memory_space<semaphore_mem>>)
      %dma_wait3A_45 = arith.constant 0 : i32
      %dma_wait3A_46 = tpu.memref_slice %arg4[%select_n3A, %mul3A_38, %dma_wait3A_45] : memref<16x256x512xf32, #tpu.memory_space<hbm>> -> memref<1x128x512xf32, #tpu.memory_space<hbm>>
      %dma_wait3A_47 = tpu.memref_squeeze %dma_wait3A_46 : memref<1x128x512xf32, #tpu.memory_space<hbm>> -> memref<128x512xf32, #tpu.memory_space<hbm>>
      %dma_wait3A_48 = arith.constant 0 : i32
      %dma_wait3A_49 = tpu.memref_slice %arg4[%select_n3A, %mul3A_38, %dma_wait3A_48] : memref<16x256x512xf32, #tpu.memory_space<hbm>> -> memref<1x128x512xf32, #tpu.memory_space<hbm>>
      %dma_wait3A_50 = tpu.memref_squeeze %dma_wait3A_49 : memref<1x128x512xf32, #tpu.memory_space<hbm>> -> memref<128x512xf32, #tpu.memory_space<hbm>>
      tpu.wait_dma2 semaphore(%run_scoped3A : memref<!tpu.dma_semaphore, #tpu.memory_space<semaphore_mem>>) src(%arg6 : memref<128x512xf32, #tpu.memory_space<vmem>>) dst(%dma_wait3A_50 : memref<128x512xf32, #tpu.memory_space<hbm>>)
      tpu.yield
    }) : () -> ()
    return
  }
}

module attributes {stable_mosaic.version = 14 : i64} {
  func.func @_phase_a(%arg0: i32, %arg1: memref<2x1000x1000xf32, #tpu.memory_space<vmem>>, %arg2: memref<2x1x1000xf32, #tpu.memory_space<vmem>>, %arg3: memref<2x1000x200xf32, #tpu.memory_space<vmem>>, %arg4: memref<2x256x200xbf16, #tpu.memory_space<vmem>>, %arg5: memref<2x256x1xi32, #tpu.memory_space<vmem>>, %arg6: memref<2x256x1xf32, #tpu.memory_space<vmem>>) attributes {dimension_semantics = [#tpu.dimension_semantics<arbitrary>], iteration_bounds = array<i64: 8>, scalar_prefetch = 0 : i64, scratch_operands = 0 : i64, tpu.core_type = #tpu.core_type<tc>, window_params = [{transform_indices = @transform_0, window_bounds = array<i64: 2, 1000, 1000>}, {transform_indices = @transform_1, window_bounds = array<i64: 2, 1, 1000>}, {transform_indices = @transform_2, window_bounds = array<i64: 2, 1000, 200>}, {transform_indices = @transform_3, window_bounds = array<i64: 2, 256, 200>}, {transform_indices = @transform_4, window_bounds = array<i64: 2, 256, 1>}, {transform_indices = @transform_5, window_bounds = array<i64: 2, 256, 1>}]} {
    %iota3A = tpu.iota {dimensions = array<i32: 1>} : vector<1000x1000xi32>
    %iota3A_0 = tpu.iota {dimensions = array<i32: 0>} : vector<1000x1000xi32>
    %lt3A = arith.cmpi slt, %iota3A_0, %iota3A : vector<1000x1000xi32>
    %get3A = arith.constant 0 : index
    %get3A_1 = arith.constant 0 : index
    %get3A_2 = arith.constant 0 : index
    %get3A_3 = vector.load %arg1[%get3A, %get3A_1, %get3A_2] : memref<2x1000x1000xf32, #tpu.memory_space<vmem>>, vector<1x1000x1000xf32>
    %get3A_4 = vector.shape_cast %get3A_3 : vector<1x1000x1000xf32> to vector<1000x1000xf32>
    %get3A_5 = arith.constant 0 : index
    %get3A_6 = arith.constant 0 : index
    %get3A_7 = arith.constant 0 : index
    %get3A_8 = vector.load %arg2[%get3A_5, %get3A_6, %get3A_7] : memref<2x1x1000xf32, #tpu.memory_space<vmem>>, vector<1x1x1000xf32>
    %get3A_9 = vector.shape_cast %get3A_8 : vector<1x1x1000xf32> to vector<1x1000xf32>
    %squeeze3A = vector.shape_cast %get3A_9 : vector<1x1000xf32> to vector<1000xf32>
    %slice3A = vector.extract_strided_slice %get3A_4 {offsets = [0, 0], sizes = [1000, 128], strides = [1, 1]} : vector<1000x1000xf32> to vector<1000x128xf32>
    %slice3A_10 = vector.extract_strided_slice %get3A_4 {offsets = [0, 128], sizes = [1000, 128], strides = [1, 1]} : vector<1000x1000xf32> to vector<1000x128xf32>
    %add3A = arith.addf %slice3A, %slice3A_10 : vector<1000x128xf32>
    %slice3A_11 = vector.extract_strided_slice %get3A_4 {offsets = [0, 256], sizes = [1000, 128], strides = [1, 1]} : vector<1000x1000xf32> to vector<1000x128xf32>
    %add3A_12 = arith.addf %add3A, %slice3A_11 : vector<1000x128xf32>
    %slice3A_13 = vector.extract_strided_slice %get3A_4 {offsets = [0, 384], sizes = [1000, 128], strides = [1, 1]} : vector<1000x1000xf32> to vector<1000x128xf32>
    %add3A_14 = arith.addf %add3A_12, %slice3A_13 : vector<1000x128xf32>
    %slice3A_15 = vector.extract_strided_slice %get3A_4 {offsets = [0, 512], sizes = [1000, 128], strides = [1, 1]} : vector<1000x1000xf32> to vector<1000x128xf32>
    %add3A_16 = arith.addf %add3A_14, %slice3A_15 : vector<1000x128xf32>
    %slice3A_17 = vector.extract_strided_slice %get3A_4 {offsets = [0, 640], sizes = [1000, 128], strides = [1, 1]} : vector<1000x1000xf32> to vector<1000x128xf32>
    %add3A_18 = arith.addf %add3A_16, %slice3A_17 : vector<1000x128xf32>
    %slice3A_19 = vector.extract_strided_slice %get3A_4 {offsets = [0, 768], sizes = [1000, 128], strides = [1, 1]} : vector<1000x1000xf32> to vector<1000x128xf32>
    %add3A_20 = arith.addf %add3A_18, %slice3A_19 : vector<1000x128xf32>
    %slice3A_21 = vector.extract_strided_slice %get3A_4 {offsets = [0, 896], sizes = [1000, 104], strides = [1, 1]} : vector<1000x1000xf32> to vector<1000x104xf32>
    %broadcast_in_dim3A = arith.constant 0.000000e+00 : f32
    %broadcast_in_dim3A_22 = vector.broadcast %broadcast_in_dim3A : f32 to vector<1000x24xf32>
    %concatenate3A = tpu.concatenate %slice3A_21, %broadcast_in_dim3A_22 in 1 : vector<1000x104xf32>, vector<1000x24xf32> -> vector<1000x128xf32>
    %add3A_23 = arith.addf %add3A_20, %concatenate3A : vector<1000x128xf32>
    %transpose3A = tpu.transpose %add3A_23, [1, 0] : vector<1000x128xf32> -> vector<128x1000xf32>
    %reduce_sum3A = arith.constant dense<0.000000e+00> : vector<1000xf32>
    %reduce_sum3A_24 = vector.multi_reduction <add>, %transpose3A, %reduce_sum3A [0] : vector<128x1000xf32> to vector<1000xf32>
    %gt3A = arith.constant 0.000000e+00 : f32
    %gt3A_25 = vector.broadcast %gt3A : f32 to vector<1000xf32>
    %gt3A_26 = arith.cmpf ogt, %squeeze3A, %gt3A_25 : vector<1000xf32>
    %jit3A = arith.constant 0xFF800000 : f32
    %broadcast_in_dim3A_27 = vector.broadcast %jit3A : f32 to vector<1000xf32>
    %select_n3A = arith.select %gt3A_26, %reduce_sum3A_24, %broadcast_in_dim3A_27 : vector<1000xi1>, vector<1000xf32>
    %broadcast_in_dim3A_28 = vector.shape_cast %select_n3A : vector<1000xf32> to vector<1x1000xf32>
    %broadcast_in_dim3A_29 = vector.shape_cast %select_n3A : vector<1000xf32> to vector<1000x1xf32>
    %gt3A_30 = vector.broadcast %broadcast_in_dim3A_29 : vector<1000x1xf32> to vector<1000x1000xf32>
    %gt3A_31 = vector.broadcast %broadcast_in_dim3A_28 : vector<1x1000xf32> to vector<1000x1000xf32>
    %gt3A_32 = arith.cmpf ogt, %gt3A_30, %gt3A_31 : vector<1000x1000xf32>
    %eq3A = vector.broadcast %broadcast_in_dim3A_29 : vector<1000x1xf32> to vector<1000x1000xf32>
    %eq3A_33 = vector.broadcast %broadcast_in_dim3A_28 : vector<1x1000xf32> to vector<1000x1000xf32>
    %eq3A_34 = arith.cmpf oeq, %eq3A, %eq3A_33 : vector<1000x1000xf32>
    %and3A = arith.andi %eq3A_34, %lt3A : vector<1000x1000xi1>
    %or3A = arith.ori %gt3A_32, %and3A : vector<1000x1000xi1>
    %jit3A_35 = arith.constant 1.000000e+00 : f32
    %jit3A_36 = arith.constant 0.000000e+00 : f32
    %broadcast_in_dim3A_37 = vector.broadcast %jit3A_35 : f32 to vector<1000x1000xf32>
    %broadcast_in_dim3A_38 = vector.broadcast %jit3A_36 : f32 to vector<1000x1000xf32>
    %select_n3A_39 = arith.select %or3A, %broadcast_in_dim3A_37, %broadcast_in_dim3A_38 : vector<1000x1000xi1>, vector<1000x1000xf32>
    %broadcast_in_dim3A_40 = arith.constant 1.000000e+00 : f32
    %broadcast_in_dim3A_41 = vector.broadcast %broadcast_in_dim3A_40 : f32 to vector<1x1000xf32>
    %dot_general3A = arith.constant dense<0.000000e+00> : vector<1x1000xf32>
    %dot_general3A_42 = tpu.matmul %broadcast_in_dim3A_41, %select_n3A_39, %dot_general3A {dimension_numbers = #tpu.dot_dimension_numbers<[1], [0], [0], [1], [0, 0, 1, 1], [], []>, transpose_lhs_hint = false} : vector<1x1000xf32>, vector<1000x1000xf32>, vector<1x1000xf32> -> vector<1x1000xf32>
    %convert_element_type3A = arith.fptosi %dot_general3A_42 : vector<1x1000xf32> to vector<1x1000xi32>
    %iota3A_43 = tpu.iota {dimensions = array<i32: 0>} : vector<256x1000xi32>
    %eq3A_44 = vector.broadcast %convert_element_type3A : vector<1x1000xi32> to vector<256x1000xi32>
    %eq3A_45 = arith.cmpi eq, %iota3A_43, %eq3A_44 : vector<256x1000xi32>
    %jit3A_46 = arith.constant 1.000000e+00 : f32
    %jit3A_47 = arith.constant 0.000000e+00 : f32
    %broadcast_in_dim3A_48 = vector.broadcast %jit3A_46 : f32 to vector<256x1000xf32>
    %broadcast_in_dim3A_49 = vector.broadcast %jit3A_47 : f32 to vector<256x1000xf32>
    %select_n3A_50 = arith.select %eq3A_45, %broadcast_in_dim3A_48, %broadcast_in_dim3A_49 : vector<256x1000xi1>, vector<256x1000xf32>
    %get3A_51 = arith.constant 0 : index
    %get3A_52 = arith.constant 0 : index
    %get3A_53 = arith.constant 0 : index
    %get3A_54 = vector.load %arg3[%get3A_51, %get3A_52, %get3A_53] : memref<2x1000x200xf32, #tpu.memory_space<vmem>>, vector<1x1000x200xf32>
    %get3A_55 = vector.shape_cast %get3A_54 : vector<1x1000x200xf32> to vector<1000x200xf32>
    %dot_general3A_56 = arith.constant dense<0.000000e+00> : vector<256x200xf32>
    %dot_general3A_57 = tpu.matmul %select_n3A_50, %get3A_55, %dot_general3A_56 {dimension_numbers = #tpu.dot_dimension_numbers<[1], [0], [0], [1], [0, 0, 1, 1], [], []>, transpose_lhs_hint = false} : vector<256x1000xf32>, vector<1000x200xf32>, vector<256x200xf32> -> vector<256x200xf32>
    %convert_element_type3A_58 = arith.truncf %dot_general3A_57 : vector<256x200xf32> to vector<256x200xbf16>
    %swap3A = arith.constant 0 : index
    %swap3A_59 = arith.constant 0 : index
    %swap3A_60 = arith.constant 0 : index
    %swap3A_61 = vector.load %arg4[%swap3A, %swap3A_59, %swap3A_60] : memref<2x256x200xbf16, #tpu.memory_space<vmem>>, vector<1x256x200xbf16>
    %swap3A_62 = vector.shape_cast %swap3A_61 : vector<1x256x200xbf16> to vector<256x200xbf16>
    %swap3A_63 = vector.shape_cast %convert_element_type3A_58 : vector<256x200xbf16> to vector<1x256x200xbf16>
    tpu.vector_store %arg4[%swap3A, %swap3A_59, %swap3A_60], %swap3A_63 {strides = array<i32>} : memref<2x256x200xbf16, #tpu.memory_space<vmem>>, vector<1x256x200xbf16>,
    %iota3A_64 = tpu.iota {dimensions = array<i32: 0>} : vector<1000x2xi32>
    %iota3A_65 = tpu.iota {dimensions = array<i32: 1>} : vector<1000x2xi32>
    %eq3A_66 = arith.constant 0 : i32
    %eq3A_67 = vector.broadcast %eq3A_66 : i32 to vector<1000x2xi32>
    %eq3A_68 = arith.cmpi eq, %iota3A_65, %eq3A_67 : vector<1000x2xi32>
    %jit3A_69 = arith.constant 128 : i32
    %div3A = vector.broadcast %jit3A_69 : i32 to vector<1000x2xi32>
    %div3A_70 = arith.divsi %iota3A_64, %div3A : vector<1000x2xi32>
    %sign3A = arith.constant 0 : i32
    %sign3A_71 = vector.broadcast %sign3A : i32 to vector<1000x2xi32>
    %sign3A_72 = arith.cmpi sgt, %iota3A_64, %sign3A_71 : vector<1000x2xi32>
    %sign3A_73 = arith.extui %sign3A_72 : vector<1000x2xi1> to vector<1000x2xi32>
    %sign3A_74 = arith.constant 0 : i32
    %sign3A_75 = vector.broadcast %sign3A_74 : i32 to vector<1000x2xi32>
    %sign3A_76 = arith.cmpi slt, %iota3A_64, %sign3A_75 : vector<1000x2xi32>
    %sign3A_77 = arith.extui %sign3A_76 : vector<1000x2xi1> to vector<1000x2xi32>
    %sign3A_78 = arith.subi %sign3A_73, %sign3A_77 : vector<1000x2xi32>
    %sign3A_79 = arith.constant 0 : i32
    %sign3A_80 = arith.cmpi sgt, %jit3A_69, %sign3A_79 : i32
    %sign3A_81 = arith.extui %sign3A_80 : i1 to i32
    %sign3A_82 = arith.constant 0 : i32
    %sign3A_83 = arith.cmpi slt, %jit3A_69, %sign3A_82 : i32
    %sign3A_84 = arith.extui %sign3A_83 : i1 to i32
    %sign3A_85 = arith.subi %sign3A_81, %sign3A_84 : i32
    %ne3A = vector.broadcast %sign3A_85 : i32 to vector<1000x2xi32>
    %ne3A_86 = arith.cmpi ne, %sign3A_78, %ne3A : vector<1000x2xi32>
    %rem3A = vector.broadcast %jit3A_69 : i32 to vector<1000x2xi32>
    %rem3A_87 = arith.remsi %iota3A_64, %rem3A : vector<1000x2xi32>
    %ne3A_88 = arith.constant 0 : i32
    %ne3A_89 = vector.broadcast %ne3A_88 : i32 to vector<1000x2xi32>
    %ne3A_90 = arith.cmpi ne, %rem3A_87, %ne3A_89 : vector<1000x2xi32>
    %and3A_91 = arith.andi %ne3A_86, %ne3A_90 : vector<1000x2xi1>
    %sub3A = arith.constant 1 : i32
    %sub3A_92 = vector.broadcast %sub3A : i32 to vector<1000x2xi32>
    %sub3A_93 = arith.subi %div3A_70, %sub3A_92 : vector<1000x2xi32>
    %select_n3A_94 = arith.select %and3A_91, %sub3A_93, %div3A_70 : vector<1000x2xi1>, vector<1000x2xi32>
    %jit3A_95 = arith.constant 128 : i32
    %eq3A_96 = arith.constant 0 : i32
    %eq3A_97 = arith.cmpi eq, %jit3A_95, %eq3A_96 : i32
    %jit3A_98 = arith.constant 1 : i32
    %select_n3A_99 = arith.select %eq3A_97, %jit3A_98, %jit3A_95 : i32
    %rem3A_100 = vector.broadcast %select_n3A_99 : i32 to vector<1000x2xi32>
    %rem3A_101 = arith.remsi %iota3A_64, %rem3A_100 : vector<1000x2xi32>
    %ne3A_102 = arith.constant 0 : i32
    %ne3A_103 = vector.broadcast %ne3A_102 : i32 to vector<1000x2xi32>
    %ne3A_104 = arith.cmpi ne, %rem3A_101, %ne3A_103 : vector<1000x2xi32>
    %lt3A_105 = arith.constant 0 : i32
    %lt3A_106 = vector.broadcast %lt3A_105 : i32 to vector<1000x2xi32>
    %lt3A_107 = arith.cmpi slt, %rem3A_101, %lt3A_106 : vector<1000x2xi32>
    %lt3A_108 = arith.constant 0 : i32
    %lt3A_109 = arith.cmpi slt, %select_n3A_99, %lt3A_108 : i32
    %ne3A_110 = vector.broadcast %lt3A_109 : i1 to vector<1000x2xi1>
    %ne3A_111 = vector.broadcast %ne3A_110 : vector<1000x2xi1> to vector<1000x2xi1>
    %ne3A_112 = arith.xori %lt3A_107, %ne3A_111 : vector<1000x2xi1>
    %and3A_113 = arith.andi %ne3A_112, %ne3A_104 : vector<1000x2xi1>
    %add3A_114 = vector.broadcast %select_n3A_99 : i32 to vector<1000x2xi32>
    %add3A_115 = arith.addi %rem3A_101, %add3A_114 : vector<1000x2xi32>
    %select_n3A_116 = arith.select %and3A_113, %add3A_115, %rem3A_101 : vector<1000x2xi1>, vector<1000x2xi32>
    %select_n3A_117 = arith.select %eq3A_68, %select_n3A_94, %select_n3A_116 : vector<1000x2xi1>, vector<1000x2xi32>
    %convert_element_type3A_118 = arith.sitofp %select_n3A_117 : vector<1000x2xi32> to vector<1000x2xf32>
    %dot_general3A_119 = arith.constant dense<0.000000e+00> : vector<256x2xf32>
    %dot_general3A_120 = tpu.matmul %select_n3A_50, %convert_element_type3A_118, %dot_general3A_119 {dimension_numbers = #tpu.dot_dimension_numbers<[1], [0], [0], [1], [0, 0, 1, 1], [], []>, transpose_lhs_hint = false} : vector<256x1000xf32>, vector<1000x2xf32>, vector<256x2xf32> -> vector<256x2xf32>
    %slice3A_121 = vector.extract_strided_slice %dot_general3A_120 {offsets = [0, 0], sizes = [256, 1], strides = [1, 1]} : vector<256x2xf32> to vector<256x1xf32>
    %mul3A = arith.constant 1.280000e+02 : f32
    %mul3A_122 = vector.broadcast %mul3A : f32 to vector<256x1xf32>
    %mul3A_123 = arith.mulf %slice3A_121, %mul3A_122 : vector<256x1xf32>
    %slice3A_124 = vector.extract_strided_slice %dot_general3A_120 {offsets = [0, 1], sizes = [256, 1], strides = [1, 1]} : vector<256x2xf32> to vector<256x1xf32>
    %add3A_125 = arith.addf %mul3A_123, %slice3A_124 : vector<256x1xf32>
    %convert_element_type3A_126 = arith.fptosi %add3A_125 : vector<256x1xf32> to vector<256x1xi32>
    %mul3A_127 = arith.constant 2 : i32
    %mul3A_128 = arith.muli %arg0, %mul3A_127 : i32
    %add3A_129 = arith.constant 0 : i32
    %add3A_130 = arith.addi %mul3A_128, %add3A_129 : i32
    %mul3A_131 = arith.constant 1000 : i32
    %mul3A_132 = arith.muli %add3A_130, %mul3A_131 : i32
    %add3A_133 = vector.broadcast %mul3A_132 : i32 to vector<256x1xi32>
    %add3A_134 = arith.addi %convert_element_type3A_126, %add3A_133 : vector<256x1xi32>
    %swap3A_135 = arith.constant 0 : index
    %swap3A_136 = arith.constant 0 : index
    %swap3A_137 = arith.constant 0 : index
    %swap3A_138 = vector.load %arg5[%swap3A_135, %swap3A_136, %swap3A_137] : memref<2x256x1xi32, #tpu.memory_space<vmem>>, vector<1x256x1xi32>
    %swap3A_139 = vector.shape_cast %swap3A_138 : vector<1x256x1xi32> to vector<256x1xi32>
    %swap3A_140 = vector.shape_cast %add3A_134 : vector<256x1xi32> to vector<1x256x1xi32>
    tpu.vector_store %arg5[%swap3A_135, %swap3A_136, %swap3A_137], %swap3A_140 {strides = array<i32>} : memref<2x256x1xi32, #tpu.memory_space<vmem>>, vector<1x256x1xi32>,
    %reduce_sum3A_141 = vector.shape_cast %squeeze3A : vector<1000xf32> to vector<1x1000xf32>
    %reduce_sum3A_142 = arith.constant dense<0.000000e+00> : vector<1xf32>
    %reduce_sum3A_143 = vector.multi_reduction <add>, %reduce_sum3A_141, %reduce_sum3A_142 [1] : vector<1x1000xf32> to vector<1xf32>
    %reduce_sum3A_144 = vector.shape_cast %reduce_sum3A_143 : vector<1xf32> to vector<1x1xf32>
    %reduce_sum3A_145 = vector.extract %reduce_sum3A_144[0, 0] : f32 from vector<1x1xf32>
    %mul3A_146 = arith.constant 2.500000e-01 : f32
    %mul3A_147 = arith.mulf %mul3A_146, %reduce_sum3A_145 : f32
    %ceil3A = math.ceil %mul3A_147 : f32
    %convert_element_type3A_148 = arith.fptosi %ceil3A : f32 to i32
    %iota3A_149 = tpu.iota {dimensions = array<i32: 0>} : vector<256x1xi32>
    %lt3A_150 = vector.broadcast %convert_element_type3A_148 : i32 to vector<256x1xi32>
    %lt3A_151 = arith.cmpi slt, %iota3A_149, %lt3A_150 : vector<256x1xi32>
    %convert_element_type3A_152 = arith.extui %lt3A_151 : vector<256x1xi1> to vector<256x1xi32>
    %convert_element_type3A_153 = arith.sitofp %convert_element_type3A_152 : vector<256x1xi32> to vector<256x1xf32>
    %swap3A_154 = arith.constant 0 : index
    %swap3A_155 = arith.constant 0 : index
    %swap3A_156 = arith.constant 0 : index
    %swap3A_157 = vector.load %arg6[%swap3A_154, %swap3A_155, %swap3A_156] : memref<2x256x1xf32, #tpu.memory_space<vmem>>, vector<1x256x1xf32>
    %swap3A_158 = vector.shape_cast %swap3A_157 : vector<1x256x1xf32> to vector<256x1xf32>
    %swap3A_159 = vector.shape_cast %convert_element_type3A_153 : vector<256x1xf32> to vector<1x256x1xf32>
    tpu.vector_store %arg6[%swap3A_154, %swap3A_155, %swap3A_156], %swap3A_159 {strides = array<i32>} : memref<2x256x1xf32, #tpu.memory_space<vmem>>, vector<1x256x1xf32>,
    %get3A_160 = arith.constant 1 : index
    %get3A_161 = arith.constant 0 : index
    %get3A_162 = arith.constant 0 : index
    %get3A_163 = vector.load %arg1[%get3A_160, %get3A_161, %get3A_162] : memref<2x1000x1000xf32, #tpu.memory_space<vmem>>, vector<1x1000x1000xf32>
    %get3A_164 = vector.shape_cast %get3A_163 : vector<1x1000x1000xf32> to vector<1000x1000xf32>
    %get3A_165 = arith.constant 1 : index
    %get3A_166 = arith.constant 0 : index
    %get3A_167 = arith.constant 0 : index
    %get3A_168 = vector.load %arg2[%get3A_165, %get3A_166, %get3A_167] : memref<2x1x1000xf32, #tpu.memory_space<vmem>>, vector<1x1x1000xf32>
    %get3A_169 = vector.shape_cast %get3A_168 : vector<1x1x1000xf32> to vector<1x1000xf32>
    %squeeze3A_170 = vector.shape_cast %get3A_169 : vector<1x1000xf32> to vector<1000xf32>
    %slice3A_171 = vector.extract_strided_slice %get3A_164 {offsets = [0, 0], sizes = [1000, 128], strides = [1, 1]} : vector<1000x1000xf32> to vector<1000x128xf32>
    %slice3A_172 = vector.extract_strided_slice %get3A_164 {offsets = [0, 128], sizes = [1000, 128], strides = [1, 1]} : vector<1000x1000xf32> to vector<1000x128xf32>
    %add3A_173 = arith.addf %slice3A_171, %slice3A_172 : vector<1000x128xf32>
    %slice3A_174 = vector.extract_strided_slice %get3A_164 {offsets = [0, 256], sizes = [1000, 128], strides = [1, 1]} : vector<1000x1000xf32> to vector<1000x128xf32>
    %add3A_175 = arith.addf %add3A_173, %slice3A_174 : vector<1000x128xf32>
    %slice3A_176 = vector.extract_strided_slice %get3A_164 {offsets = [0, 384], sizes = [1000, 128], strides = [1, 1]} : vector<1000x1000xf32> to vector<1000x128xf32>
    %add3A_177 = arith.addf %add3A_175, %slice3A_176 : vector<1000x128xf32>
    %slice3A_178 = vector.extract_strided_slice %get3A_164 {offsets = [0, 512], sizes = [1000, 128], strides = [1, 1]} : vector<1000x1000xf32> to vector<1000x128xf32>
    %add3A_179 = arith.addf %add3A_177, %slice3A_178 : vector<1000x128xf32>
    %slice3A_180 = vector.extract_strided_slice %get3A_164 {offsets = [0, 640], sizes = [1000, 128], strides = [1, 1]} : vector<1000x1000xf32> to vector<1000x128xf32>
    %add3A_181 = arith.addf %add3A_179, %slice3A_180 : vector<1000x128xf32>
    %slice3A_182 = vector.extract_strided_slice %get3A_164 {offsets = [0, 768], sizes = [1000, 128], strides = [1, 1]} : vector<1000x1000xf32> to vector<1000x128xf32>
    %add3A_183 = arith.addf %add3A_181, %slice3A_182 : vector<1000x128xf32>
    %slice3A_184 = vector.extract_strided_slice %get3A_164 {offsets = [0, 896], sizes = [1000, 104], strides = [1, 1]} : vector<1000x1000xf32> to vector<1000x104xf32>
    %broadcast_in_dim3A_185 = arith.constant 0.000000e+00 : f32
    %broadcast_in_dim3A_186 = vector.broadcast %broadcast_in_dim3A_185 : f32 to vector<1000x24xf32>
    %concatenate3A_187 = tpu.concatenate %slice3A_184, %broadcast_in_dim3A_186 in 1 : vector<1000x104xf32>, vector<1000x24xf32> -> vector<1000x128xf32>
    %add3A_188 = arith.addf %add3A_183, %concatenate3A_187 : vector<1000x128xf32>
    %transpose3A_189 = tpu.transpose %add3A_188, [1, 0] : vector<1000x128xf32> -> vector<128x1000xf32>
    %reduce_sum3A_190 = arith.constant dense<0.000000e+00> : vector<1000xf32>
    %reduce_sum3A_191 = vector.multi_reduction <add>, %transpose3A_189, %reduce_sum3A_190 [0] : vector<128x1000xf32> to vector<1000xf32>
    %gt3A_192 = arith.constant 0.000000e+00 : f32
    %gt3A_193 = vector.broadcast %gt3A_192 : f32 to vector<1000xf32>
    %gt3A_194 = arith.cmpf ogt, %squeeze3A_170, %gt3A_193 : vector<1000xf32>
    %jit3A_195 = arith.constant 0xFF800000 : f32
    %broadcast_in_dim3A_196 = vector.broadcast %jit3A_195 : f32 to vector<1000xf32>
    %select_n3A_197 = arith.select %gt3A_194, %reduce_sum3A_191, %broadcast_in_dim3A_196 : vector<1000xi1>, vector<1000xf32>
    %broadcast_in_dim3A_198 = vector.shape_cast %select_n3A_197 : vector<1000xf32> to vector<1x1000xf32>
    %broadcast_in_dim3A_199 = vector.shape_cast %select_n3A_197 : vector<1000xf32> to vector<1000x1xf32>
    %gt3A_200 = vector.broadcast %broadcast_in_dim3A_199 : vector<1000x1xf32> to vector<1000x1000xf32>
    %gt3A_201 = vector.broadcast %broadcast_in_dim3A_198 : vector<1x1000xf32> to vector<1000x1000xf32>
    %gt3A_202 = arith.cmpf ogt, %gt3A_200, %gt3A_201 : vector<1000x1000xf32>
    %eq3A_203 = vector.broadcast %broadcast_in_dim3A_199 : vector<1000x1xf32> to vector<1000x1000xf32>
    %eq3A_204 = vector.broadcast %broadcast_in_dim3A_198 : vector<1x1000xf32> to vector<1000x1000xf32>
    %eq3A_205 = arith.cmpf oeq, %eq3A_203, %eq3A_204 : vector<1000x1000xf32>
    %and3A_206 = arith.andi %eq3A_205, %lt3A : vector<1000x1000xi1>
    %or3A_207 = arith.ori %gt3A_202, %and3A_206 : vector<1000x1000xi1>
    %jit3A_208 = arith.constant 1.000000e+00 : f32
    %jit3A_209 = arith.constant 0.000000e+00 : f32
    %broadcast_in_dim3A_210 = vector.broadcast %jit3A_208 : f32 to vector<1000x1000xf32>
    %broadcast_in_dim3A_211 = vector.broadcast %jit3A_209 : f32 to vector<1000x1000xf32>
    %select_n3A_212 = arith.select %or3A_207, %broadcast_in_dim3A_210, %broadcast_in_dim3A_211 : vector<1000x1000xi1>, vector<1000x1000xf32>
    %broadcast_in_dim3A_213 = arith.constant 1.000000e+00 : f32
    %broadcast_in_dim3A_214 = vector.broadcast %broadcast_in_dim3A_213 : f32 to vector<1x1000xf32>
    %dot_general3A_215 = arith.constant dense<0.000000e+00> : vector<1x1000xf32>
    %dot_general3A_216 = tpu.matmul %broadcast_in_dim3A_214, %select_n3A_212, %dot_general3A_215 {dimension_numbers = #tpu.dot_dimension_numbers<[1], [0], [0], [1], [0, 0, 1, 1], [], []>, transpose_lhs_hint = false} : vector<1x1000xf32>, vector<1000x1000xf32>, vector<1x1000xf32> -> vector<1x1000xf32>
    %convert_element_type3A_217 = arith.fptosi %dot_general3A_216 : vector<1x1000xf32> to vector<1x1000xi32>
    %iota3A_218 = tpu.iota {dimensions = array<i32: 0>} : vector<256x1000xi32>
    %eq3A_219 = vector.broadcast %convert_element_type3A_217 : vector<1x1000xi32> to vector<256x1000xi32>
    %eq3A_220 = arith.cmpi eq, %iota3A_218, %eq3A_219 : vector<256x1000xi32>
    %jit3A_221 = arith.constant 1.000000e+00 : f32
    %jit3A_222 = arith.constant 0.000000e+00 : f32
    %broadcast_in_dim3A_223 = vector.broadcast %jit3A_221 : f32 to vector<256x1000xf32>
    %broadcast_in_dim3A_224 = vector.broadcast %jit3A_222 : f32 to vector<256x1000xf32>
    %select_n3A_225 = arith.select %eq3A_220, %broadcast_in_dim3A_223, %broadcast_in_dim3A_224 : vector<256x1000xi1>, vector<256x1000xf32>
    %get3A_226 = arith.constant 1 : index
    %get3A_227 = arith.constant 0 : index
    %get3A_228 = arith.constant 0 : index
    %get3A_229 = vector.load %arg3[%get3A_226, %get3A_227, %get3A_228] : memref<2x1000x200xf32, #tpu.memory_space<vmem>>, vector<1x1000x200xf32>
    %get3A_230 = vector.shape_cast %get3A_229 : vector<1x1000x200xf32> to vector<1000x200xf32>
    %dot_general3A_231 = arith.constant dense<0.000000e+00> : vector<256x200xf32>
    %dot_general3A_232 = tpu.matmul %select_n3A_225, %get3A_230, %dot_general3A_231 {dimension_numbers = #tpu.dot_dimension_numbers<[1], [0], [0], [1], [0, 0, 1, 1], [], []>, transpose_lhs_hint = false} : vector<256x1000xf32>, vector<1000x200xf32>, vector<256x200xf32> -> vector<256x200xf32>
    %convert_element_type3A_233 = arith.truncf %dot_general3A_232 : vector<256x200xf32> to vector<256x200xbf16>
    %swap3A_234 = arith.constant 1 : index
    %swap3A_235 = arith.constant 0 : index
    %swap3A_236 = arith.constant 0 : index
    %swap3A_237 = vector.load %arg4[%swap3A_234, %swap3A_235, %swap3A_236] : memref<2x256x200xbf16, #tpu.memory_space<vmem>>, vector<1x256x200xbf16>
    %swap3A_238 = vector.shape_cast %swap3A_237 : vector<1x256x200xbf16> to vector<256x200xbf16>
    %swap3A_239 = vector.shape_cast %convert_element_type3A_233 : vector<256x200xbf16> to vector<1x256x200xbf16>
    tpu.vector_store %arg4[%swap3A_234, %swap3A_235, %swap3A_236], %swap3A_239 {strides = array<i32>} : memref<2x256x200xbf16, #tpu.memory_space<vmem>>, vector<1x256x200xbf16>,
    %iota3A_240 = tpu.iota {dimensions = array<i32: 0>} : vector<1000x2xi32>
    %iota3A_241 = tpu.iota {dimensions = array<i32: 1>} : vector<1000x2xi32>
    %eq3A_242 = arith.constant 0 : i32
    %eq3A_243 = vector.broadcast %eq3A_242 : i32 to vector<1000x2xi32>
    %eq3A_244 = arith.cmpi eq, %iota3A_241, %eq3A_243 : vector<1000x2xi32>
    %jit3A_245 = arith.constant 128 : i32
    %div3A_246 = vector.broadcast %jit3A_245 : i32 to vector<1000x2xi32>
    %div3A_247 = arith.divsi %iota3A_240, %div3A_246 : vector<1000x2xi32>
    %sign3A_248 = arith.constant 0 : i32
    %sign3A_249 = vector.broadcast %sign3A_248 : i32 to vector<1000x2xi32>
    %sign3A_250 = arith.cmpi sgt, %iota3A_240, %sign3A_249 : vector<1000x2xi32>
    %sign3A_251 = arith.extui %sign3A_250 : vector<1000x2xi1> to vector<1000x2xi32>
    %sign3A_252 = arith.constant 0 : i32
    %sign3A_253 = vector.broadcast %sign3A_252 : i32 to vector<1000x2xi32>
    %sign3A_254 = arith.cmpi slt, %iota3A_240, %sign3A_253 : vector<1000x2xi32>
    %sign3A_255 = arith.extui %sign3A_254 : vector<1000x2xi1> to vector<1000x2xi32>
    %sign3A_256 = arith.subi %sign3A_251, %sign3A_255 : vector<1000x2xi32>
    %sign3A_257 = arith.constant 0 : i32
    %sign3A_258 = arith.cmpi sgt, %jit3A_245, %sign3A_257 : i32
    %sign3A_259 = arith.extui %sign3A_258 : i1 to i32
    %sign3A_260 = arith.constant 0 : i32
    %sign3A_261 = arith.cmpi slt, %jit3A_245, %sign3A_260 : i32
    %sign3A_262 = arith.extui %sign3A_261 : i1 to i32
    %sign3A_263 = arith.subi %sign3A_259, %sign3A_262 : i32
    %ne3A_264 = vector.broadcast %sign3A_263 : i32 to vector<1000x2xi32>
    %ne3A_265 = arith.cmpi ne, %sign3A_256, %ne3A_264 : vector<1000x2xi32>
    %rem3A_266 = vector.broadcast %jit3A_245 : i32 to vector<1000x2xi32>
    %rem3A_267 = arith.remsi %iota3A_240, %rem3A_266 : vector<1000x2xi32>
    %ne3A_268 = arith.constant 0 : i32
    %ne3A_269 = vector.broadcast %ne3A_268 : i32 to vector<1000x2xi32>
    %ne3A_270 = arith.cmpi ne, %rem3A_267, %ne3A_269 : vector<1000x2xi32>
    %and3A_271 = arith.andi %ne3A_265, %ne3A_270 : vector<1000x2xi1>
    %sub3A_272 = arith.constant 1 : i32
    %sub3A_273 = vector.broadcast %sub3A_272 : i32 to vector<1000x2xi32>
    %sub3A_274 = arith.subi %div3A_247, %sub3A_273 : vector<1000x2xi32>
    %select_n3A_275 = arith.select %and3A_271, %sub3A_274, %div3A_247 : vector<1000x2xi1>, vector<1000x2xi32>
    %jit3A_276 = arith.constant 128 : i32
    %eq3A_277 = arith.constant 0 : i32
    %eq3A_278 = arith.cmpi eq, %jit3A_276, %eq3A_277 : i32
    %jit3A_279 = arith.constant 1 : i32
    %select_n3A_280 = arith.select %eq3A_278, %jit3A_279, %jit3A_276 : i32
    %rem3A_281 = vector.broadcast %select_n3A_280 : i32 to vector<1000x2xi32>
    %rem3A_282 = arith.remsi %iota3A_240, %rem3A_281 : vector<1000x2xi32>
    %ne3A_283 = arith.constant 0 : i32
    %ne3A_284 = vector.broadcast %ne3A_283 : i32 to vector<1000x2xi32>
    %ne3A_285 = arith.cmpi ne, %rem3A_282, %ne3A_284 : vector<1000x2xi32>
    %lt3A_286 = arith.constant 0 : i32
    %lt3A_287 = vector.broadcast %lt3A_286 : i32 to vector<1000x2xi32>
    %lt3A_288 = arith.cmpi slt, %rem3A_282, %lt3A_287 : vector<1000x2xi32>
    %lt3A_289 = arith.constant 0 : i32
    %lt3A_290 = arith.cmpi slt, %select_n3A_280, %lt3A_289 : i32
    %ne3A_291 = vector.broadcast %lt3A_290 : i1 to vector<1000x2xi1>
    %ne3A_292 = vector.broadcast %ne3A_291 : vector<1000x2xi1> to vector<1000x2xi1>
    %ne3A_293 = arith.xori %lt3A_288, %ne3A_292 : vector<1000x2xi1>
    %and3A_294 = arith.andi %ne3A_293, %ne3A_285 : vector<1000x2xi1>
    %add3A_295 = vector.broadcast %select_n3A_280 : i32 to vector<1000x2xi32>
    %add3A_296 = arith.addi %rem3A_282, %add3A_295 : vector<1000x2xi32>
    %select_n3A_297 = arith.select %and3A_294, %add3A_296, %rem3A_282 : vector<1000x2xi1>, vector<1000x2xi32>
    %select_n3A_298 = arith.select %eq3A_244, %select_n3A_275, %select_n3A_297 : vector<1000x2xi1>, vector<1000x2xi32>
    %convert_element_type3A_299 = arith.sitofp %select_n3A_298 : vector<1000x2xi32> to vector<1000x2xf32>
    %dot_general3A_300 = arith.constant dense<0.000000e+00> : vector<256x2xf32>
    %dot_general3A_301 = tpu.matmul %select_n3A_225, %convert_element_type3A_299, %dot_general3A_300 {dimension_numbers = #tpu.dot_dimension_numbers<[1], [0], [0], [1], [0, 0, 1, 1], [], []>, transpose_lhs_hint = false} : vector<256x1000xf32>, vector<1000x2xf32>, vector<256x2xf32> -> vector<256x2xf32>
    %slice3A_302 = vector.extract_strided_slice %dot_general3A_301 {offsets = [0, 0], sizes = [256, 1], strides = [1, 1]} : vector<256x2xf32> to vector<256x1xf32>
    %mul3A_303 = arith.constant 1.280000e+02 : f32
    %mul3A_304 = vector.broadcast %mul3A_303 : f32 to vector<256x1xf32>
    %mul3A_305 = arith.mulf %slice3A_302, %mul3A_304 : vector<256x1xf32>
    %slice3A_306 = vector.extract_strided_slice %dot_general3A_301 {offsets = [0, 1], sizes = [256, 1], strides = [1, 1]} : vector<256x2xf32> to vector<256x1xf32>
    %add3A_307 = arith.addf %mul3A_305, %slice3A_306 : vector<256x1xf32>
    %convert_element_type3A_308 = arith.fptosi %add3A_307 : vector<256x1xf32> to vector<256x1xi32>
    %mul3A_309 = arith.constant 2 : i32
    %mul3A_310 = arith.muli %arg0, %mul3A_309 : i32
    %add3A_311 = arith.constant 1 : i32
    %add3A_312 = arith.addi %mul3A_310, %add3A_311 : i32
    %mul3A_313 = arith.constant 1000 : i32
    %mul3A_314 = arith.muli %add3A_312, %mul3A_313 : i32
    %add3A_315 = vector.broadcast %mul3A_314 : i32 to vector<256x1xi32>
    %add3A_316 = arith.addi %convert_element_type3A_308, %add3A_315 : vector<256x1xi32>
    %swap3A_317 = arith.constant 1 : index
    %swap3A_318 = arith.constant 0 : index
    %swap3A_319 = arith.constant 0 : index
    %swap3A_320 = vector.load %arg5[%swap3A_317, %swap3A_318, %swap3A_319] : memref<2x256x1xi32, #tpu.memory_space<vmem>>, vector<1x256x1xi32>
    %swap3A_321 = vector.shape_cast %swap3A_320 : vector<1x256x1xi32> to vector<256x1xi32>
    %swap3A_322 = vector.shape_cast %add3A_316 : vector<256x1xi32> to vector<1x256x1xi32>
    tpu.vector_store %arg5[%swap3A_317, %swap3A_318, %swap3A_319], %swap3A_322 {strides = array<i32>} : memref<2x256x1xi32, #tpu.memory_space<vmem>>, vector<1x256x1xi32>,
    %reduce_sum3A_323 = vector.shape_cast %squeeze3A_170 : vector<1000xf32> to vector<1x1000xf32>
    %reduce_sum3A_324 = arith.constant dense<0.000000e+00> : vector<1xf32>
    %reduce_sum3A_325 = vector.multi_reduction <add>, %reduce_sum3A_323, %reduce_sum3A_324 [1] : vector<1x1000xf32> to vector<1xf32>
    %reduce_sum3A_326 = vector.shape_cast %reduce_sum3A_325 : vector<1xf32> to vector<1x1xf32>
    %reduce_sum3A_327 = vector.extract %reduce_sum3A_326[0, 0] : f32 from vector<1x1xf32>
    %mul3A_328 = arith.constant 2.500000e-01 : f32
    %mul3A_329 = arith.mulf %mul3A_328, %reduce_sum3A_327 : f32
    %ceil3A_330 = math.ceil %mul3A_329 : f32
    %convert_element_type3A_331 = arith.fptosi %ceil3A_330 : f32 to i32
    %iota3A_332 = tpu.iota {dimensions = array<i32: 0>} : vector<256x1xi32>
    %lt3A_333 = vector.broadcast %convert_element_type3A_331 : i32 to vector<256x1xi32>
    %lt3A_334 = arith.cmpi slt, %iota3A_332, %lt3A_333 : vector<256x1xi32>
    %convert_element_type3A_335 = arith.extui %lt3A_334 : vector<256x1xi1> to vector<256x1xi32>
    %convert_element_type3A_336 = arith.sitofp %convert_element_type3A_335 : vector<256x1xi32> to vector<256x1xf32>
    %swap3A_337 = arith.constant 1 : index
    %swap3A_338 = arith.constant 0 : index
    %swap3A_339 = arith.constant 0 : index
    %swap3A_340 = vector.load %arg6[%swap3A_337, %swap3A_338, %swap3A_339] : memref<2x256x1xf32, #tpu.memory_space<vmem>>, vector<1x256x1xf32>
    %swap3A_341 = vector.shape_cast %swap3A_340 : vector<1x256x1xf32> to vector<256x1xf32>
    %swap3A_342 = vector.shape_cast %convert_element_type3A_336 : vector<256x1xf32> to vector<1x256x1xf32>
    tpu.vector_store %arg6[%swap3A_337, %swap3A_338, %swap3A_339], %swap3A_342 {strides = array<i32>} : memref<2x256x1xf32, #tpu.memory_space<vmem>>, vector<1x256x1xf32>,
    return
  }
  func.func @transform_0(%arg0: i32) -> (i32, i32, i32) {
    %c0_i32 = arith.constant 0 : i32
    %c0_i32_0 = arith.constant 0 : i32
    %c0_i32_1 = arith.constant 0 : i32
    return %arg0, %c0_i32, %c0_i32_0 : i32, i32, i32
  }
  func.func @transform_1(%arg0: i32) -> (i32, i32, i32) {
    %c0_i32 = arith.constant 0 : i32
    %c0_i32_0 = arith.constant 0 : i32
    %c0_i32_1 = arith.constant 0 : i32
    return %arg0, %c0_i32, %c0_i32_0 : i32, i32, i32
  }
  func.func @transform_2(%arg0: i32) -> (i32, i32, i32) {
    %c0_i32 = arith.constant 0 : i32
    %c0_i32_0 = arith.constant 0 : i32
    %c0_i32_1 = arith.constant 0 : i32
    return %arg0, %c0_i32, %c0_i32_0 : i32, i32, i32
  }
  func.func @transform_3(%arg0: i32) -> (i32, i32, i32) {
    %c0_i32 = arith.constant 0 : i32
    %c0_i32_0 = arith.constant 0 : i32
    %c0_i32_1 = arith.constant 0 : i32
    return %arg0, %c0_i32, %c0_i32_0 : i32, i32, i32
  }
  func.func @transform_4(%arg0: i32) -> (i32, i32, i32) {
    %c0_i32 = arith.constant 0 : i32
    %c0_i32_0 = arith.constant 0 : i32
    %c0_i32_1 = arith.constant 0 : i32
    return %arg0, %c0_i32, %c0_i32_0 : i32, i32, i32
  }
  func.func @transform_5(%arg0: i32) -> (i32, i32, i32) {
    %c0_i32 = arith.constant 0 : i32
    %c0_i32_0 = arith.constant 0 : i32
    %c0_i32_1 = arith.constant 0 : i32
    return %arg0, %c0_i32, %c0_i32_0 : i32, i32, i32
  }
}

module attributes {stable_mosaic.version = 14 : i64} {
  func.func @_phase_c(%arg0: i32, %arg1: memref<4x256x200xbf16, #tpu.memory_space<vmem>>, %arg2: memref<4x256x512xf32, #tpu.memory_space<vmem>>, %arg3: memref<4x200x512xf32, #tpu.memory_space<vmem>>, %arg4: memref<512x512xf32, #tpu.memory_space<vmem>>, %arg5: memref<4x256x1xf32, #tpu.memory_space<vmem>>, %arg6: memref<4x250x512xf32, #tpu.memory_space<vmem>>) attributes {dimension_semantics = [#tpu.dimension_semantics<arbitrary>], iteration_bounds = array<i64: 4>, scalar_prefetch = 0 : i64, scratch_operands = 0 : i64, tpu.core_type = #tpu.core_type<tc>, window_params = [{transform_indices = @transform_0, window_bounds = array<i64: 4, 256, 200>}, {transform_indices = @transform_1, window_bounds = array<i64: 4, 256, 512>}, {transform_indices = @transform_2, window_bounds = array<i64: 4, 200, 512>}, {pipeline_mode = #tpu.pipeline_mode<synchronous>, transform_indices = @transform_3, window_bounds = array<i64: 512, 512>}, {transform_indices = @transform_4, window_bounds = array<i64: 4, 256, 1>}, {transform_indices = @transform_5, window_bounds = array<i64: 4, 250, 512>}]} {
    %get3A = arith.constant 0 : index
    %get3A_0 = arith.constant 0 : index
    %get3A_1 = arith.constant 0 : index
    %get3A_2 = vector.load %arg1[%get3A, %get3A_0, %get3A_1] : memref<4x256x200xbf16, #tpu.memory_space<vmem>>, vector<1x256x200xbf16>
    %get3A_3 = vector.shape_cast %get3A_2 : vector<1x256x200xbf16> to vector<256x200xbf16>
    %get3A_4 = arith.constant 0 : index
    %get3A_5 = arith.constant 0 : index
    %get3A_6 = arith.constant 0 : index
    %get3A_7 = vector.load %arg3[%get3A_4, %get3A_5, %get3A_6] : memref<4x200x512xf32, #tpu.memory_space<vmem>>, vector<1x200x512xf32>
    %get3A_8 = vector.shape_cast %get3A_7 : vector<1x200x512xf32> to vector<200x512xf32>
    %convert_element_type3A = arith.truncf %get3A_8 : vector<200x512xf32> to vector<200x512xbf16>
    %dot_general3A = arith.constant dense<0.000000e+00> : vector<256x512xf32>
    %dot_general3A_9 = tpu.matmul %get3A_3, %convert_element_type3A, %dot_general3A {dimension_numbers = #tpu.dot_dimension_numbers<[1], [0], [0], [1], [0, 0, 1, 1], [], []>, transpose_lhs_hint = false} : vector<256x200xbf16>, vector<200x512xbf16>, vector<256x512xf32> -> vector<256x512xf32>
    %get3A_10 = arith.constant 0 : index
    %get3A_11 = arith.constant 0 : index
    %get3A_12 = arith.constant 0 : index
    %get3A_13 = vector.load %arg2[%get3A_10, %get3A_11, %get3A_12] : memref<4x256x512xf32, #tpu.memory_space<vmem>>, vector<1x256x512xf32>
    %get3A_14 = vector.shape_cast %get3A_13 : vector<1x256x512xf32> to vector<256x512xf32>
    %add3A = arith.addf %dot_general3A_9, %get3A_14 : vector<256x512xf32>
    %get3A_15 = arith.constant 0 : index
    %get3A_16 = arith.constant 0 : index
    %get3A_17 = vector.load %arg4[%get3A_15, %get3A_16] : memref<512x512xf32, #tpu.memory_space<vmem>>, vector<512x512xf32>
    %dot_general3A_18 = arith.constant dense<0.000000e+00> : vector<256x512xf32>
    %dot_general3A_19 = tpu.matmul %add3A, %get3A_17, %dot_general3A_18 {dimension_numbers = #tpu.dot_dimension_numbers<[1], [0], [0], [1], [0, 0, 1, 1], [], []>, transpose_lhs_hint = false} : vector<256x512xf32>, vector<512x512xf32>, vector<256x512xf32> -> vector<256x512xf32>
    %max3A = arith.constant 0.000000e+00 : f32
    %max3A_20 = vector.broadcast %max3A : f32 to vector<256x512xf32>
    %max3A_21 = arith.maximumf %dot_general3A_19, %max3A_20 : vector<256x512xf32>
    %get3A_22 = arith.constant 0 : index
    %get3A_23 = arith.constant 0 : index
    %get3A_24 = arith.constant 0 : index
    %get3A_25 = vector.load %arg5[%get3A_22, %get3A_23, %get3A_24] : memref<4x256x1xf32, #tpu.memory_space<vmem>>, vector<1x256x1xf32>
    %get3A_26 = vector.shape_cast %get3A_25 : vector<1x256x1xf32> to vector<256x1xf32>
    %mul3A = vector.broadcast %get3A_26 : vector<256x1xf32> to vector<256x512xf32>
    %mul3A_27 = arith.mulf %max3A_21, %mul3A : vector<256x512xf32>
    %slice3A = vector.extract_strided_slice %mul3A_27 {offsets = [0, 0], sizes = [250, 512], strides = [1, 1]} : vector<256x512xf32> to vector<250x512xf32>
    %swap3A = arith.constant 0 : index
    %swap3A_28 = arith.constant 0 : index
    %swap3A_29 = arith.constant 0 : index
    %swap3A_30 = vector.load %arg6[%swap3A, %swap3A_28, %swap3A_29] : memref<4x250x512xf32, #tpu.memory_space<vmem>>, vector<1x250x512xf32>
    %swap3A_31 = vector.shape_cast %swap3A_30 : vector<1x250x512xf32> to vector<250x512xf32>
    %swap3A_32 = vector.shape_cast %slice3A : vector<250x512xf32> to vector<1x250x512xf32>
    tpu.vector_store %arg6[%swap3A, %swap3A_28, %swap3A_29], %swap3A_32 {strides = array<i32>} : memref<4x250x512xf32, #tpu.memory_space<vmem>>, vector<1x250x512xf32>,
    %get3A_33 = arith.constant 1 : index
    %get3A_34 = arith.constant 0 : index
    %get3A_35 = arith.constant 0 : index
    %get3A_36 = vector.load %arg1[%get3A_33, %get3A_34, %get3A_35] : memref<4x256x200xbf16, #tpu.memory_space<vmem>>, vector<1x256x200xbf16>
    %get3A_37 = vector.shape_cast %get3A_36 : vector<1x256x200xbf16> to vector<256x200xbf16>
    %get3A_38 = arith.constant 1 : index
    %get3A_39 = arith.constant 0 : index
    %get3A_40 = arith.constant 0 : index
    %get3A_41 = vector.load %arg3[%get3A_38, %get3A_39, %get3A_40] : memref<4x200x512xf32, #tpu.memory_space<vmem>>, vector<1x200x512xf32>
    %get3A_42 = vector.shape_cast %get3A_41 : vector<1x200x512xf32> to vector<200x512xf32>
    %convert_element_type3A_43 = arith.truncf %get3A_42 : vector<200x512xf32> to vector<200x512xbf16>
    %dot_general3A_44 = arith.constant dense<0.000000e+00> : vector<256x512xf32>
    %dot_general3A_45 = tpu.matmul %get3A_37, %convert_element_type3A_43, %dot_general3A_44 {dimension_numbers = #tpu.dot_dimension_numbers<[1], [0], [0], [1], [0, 0, 1, 1], [], []>, transpose_lhs_hint = false} : vector<256x200xbf16>, vector<200x512xbf16>, vector<256x512xf32> -> vector<256x512xf32>
    %get3A_46 = arith.constant 1 : index
    %get3A_47 = arith.constant 0 : index
    %get3A_48 = arith.constant 0 : index
    %get3A_49 = vector.load %arg2[%get3A_46, %get3A_47, %get3A_48] : memref<4x256x512xf32, #tpu.memory_space<vmem>>, vector<1x256x512xf32>
    %get3A_50 = vector.shape_cast %get3A_49 : vector<1x256x512xf32> to vector<256x512xf32>
    %add3A_51 = arith.addf %dot_general3A_45, %get3A_50 : vector<256x512xf32>
    %get3A_52 = arith.constant 0 : index
    %get3A_53 = arith.constant 0 : index
    %get3A_54 = vector.load %arg4[%get3A_52, %get3A_53] : memref<512x512xf32, #tpu.memory_space<vmem>>, vector<512x512xf32>
    %dot_general3A_55 = arith.constant dense<0.000000e+00> : vector<256x512xf32>
    %dot_general3A_56 = tpu.matmul %add3A_51, %get3A_54, %dot_general3A_55 {dimension_numbers = #tpu.dot_dimension_numbers<[1], [0], [0], [1], [0, 0, 1, 1], [], []>, transpose_lhs_hint = false} : vector<256x512xf32>, vector<512x512xf32>, vector<256x512xf32> -> vector<256x512xf32>
    %max3A_57 = arith.constant 0.000000e+00 : f32
    %max3A_58 = vector.broadcast %max3A_57 : f32 to vector<256x512xf32>
    %max3A_59 = arith.maximumf %dot_general3A_56, %max3A_58 : vector<256x512xf32>
    %get3A_60 = arith.constant 1 : index
    %get3A_61 = arith.constant 0 : index
    %get3A_62 = arith.constant 0 : index
    %get3A_63 = vector.load %arg5[%get3A_60, %get3A_61, %get3A_62] : memref<4x256x1xf32, #tpu.memory_space<vmem>>, vector<1x256x1xf32>
    %get3A_64 = vector.shape_cast %get3A_63 : vector<1x256x1xf32> to vector<256x1xf32>
    %mul3A_65 = vector.broadcast %get3A_64 : vector<256x1xf32> to vector<256x512xf32>
    %mul3A_66 = arith.mulf %max3A_59, %mul3A_65 : vector<256x512xf32>
    %slice3A_67 = vector.extract_strided_slice %mul3A_66 {offsets = [0, 0], sizes = [250, 512], strides = [1, 1]} : vector<256x512xf32> to vector<250x512xf32>
    %swap3A_68 = arith.constant 1 : index
    %swap3A_69 = arith.constant 0 : index
    %swap3A_70 = arith.constant 0 : index
    %swap3A_71 = vector.load %arg6[%swap3A_68, %swap3A_69, %swap3A_70] : memref<4x250x512xf32, #tpu.memory_space<vmem>>, vector<1x250x512xf32>
    %swap3A_72 = vector.shape_cast %swap3A_71 : vector<1x250x512xf32> to vector<250x512xf32>
    %swap3A_73 = vector.shape_cast %slice3A_67 : vector<250x512xf32> to vector<1x250x512xf32>
    tpu.vector_store %arg6[%swap3A_68, %swap3A_69, %swap3A_70], %swap3A_73 {strides = array<i32>} : memref<4x250x512xf32, #tpu.memory_space<vmem>>, vector<1x250x512xf32>,
    %get3A_74 = arith.constant 2 : index
    %get3A_75 = arith.constant 0 : index
    %get3A_76 = arith.constant 0 : index
    %get3A_77 = vector.load %arg1[%get3A_74, %get3A_75, %get3A_76] : memref<4x256x200xbf16, #tpu.memory_space<vmem>>, vector<1x256x200xbf16>
    %get3A_78 = vector.shape_cast %get3A_77 : vector<1x256x200xbf16> to vector<256x200xbf16>
    %get3A_79 = arith.constant 2 : index
    %get3A_80 = arith.constant 0 : index
    %get3A_81 = arith.constant 0 : index
    %get3A_82 = vector.load %arg3[%get3A_79, %get3A_80, %get3A_81] : memref<4x200x512xf32, #tpu.memory_space<vmem>>, vector<1x200x512xf32>
    %get3A_83 = vector.shape_cast %get3A_82 : vector<1x200x512xf32> to vector<200x512xf32>
    %convert_element_type3A_84 = arith.truncf %get3A_83 : vector<200x512xf32> to vector<200x512xbf16>
    %dot_general3A_85 = arith.constant dense<0.000000e+00> : vector<256x512xf32>
    %dot_general3A_86 = tpu.matmul %get3A_78, %convert_element_type3A_84, %dot_general3A_85 {dimension_numbers = #tpu.dot_dimension_numbers<[1], [0], [0], [1], [0, 0, 1, 1], [], []>, transpose_lhs_hint = false} : vector<256x200xbf16>, vector<200x512xbf16>, vector<256x512xf32> -> vector<256x512xf32>
    %get3A_87 = arith.constant 2 : index
    %get3A_88 = arith.constant 0 : index
    %get3A_89 = arith.constant 0 : index
    %get3A_90 = vector.load %arg2[%get3A_87, %get3A_88, %get3A_89] : memref<4x256x512xf32, #tpu.memory_space<vmem>>, vector<1x256x512xf32>
    %get3A_91 = vector.shape_cast %get3A_90 : vector<1x256x512xf32> to vector<256x512xf32>
    %add3A_92 = arith.addf %dot_general3A_86, %get3A_91 : vector<256x512xf32>
    %get3A_93 = arith.constant 0 : index
    %get3A_94 = arith.constant 0 : index
    %get3A_95 = vector.load %arg4[%get3A_93, %get3A_94] : memref<512x512xf32, #tpu.memory_space<vmem>>, vector<512x512xf32>
    %dot_general3A_96 = arith.constant dense<0.000000e+00> : vector<256x512xf32>
    %dot_general3A_97 = tpu.matmul %add3A_92, %get3A_95, %dot_general3A_96 {dimension_numbers = #tpu.dot_dimension_numbers<[1], [0], [0], [1], [0, 0, 1, 1], [], []>, transpose_lhs_hint = false} : vector<256x512xf32>, vector<512x512xf32>, vector<256x512xf32> -> vector<256x512xf32>
    %max3A_98 = arith.constant 0.000000e+00 : f32
    %max3A_99 = vector.broadcast %max3A_98 : f32 to vector<256x512xf32>
    %max3A_100 = arith.maximumf %dot_general3A_97, %max3A_99 : vector<256x512xf32>
    %get3A_101 = arith.constant 2 : index
    %get3A_102 = arith.constant 0 : index
    %get3A_103 = arith.constant 0 : index
    %get3A_104 = vector.load %arg5[%get3A_101, %get3A_102, %get3A_103] : memref<4x256x1xf32, #tpu.memory_space<vmem>>, vector<1x256x1xf32>
    %get3A_105 = vector.shape_cast %get3A_104 : vector<1x256x1xf32> to vector<256x1xf32>
    %mul3A_106 = vector.broadcast %get3A_105 : vector<256x1xf32> to vector<256x512xf32>
    %mul3A_107 = arith.mulf %max3A_100, %mul3A_106 : vector<256x512xf32>
    %slice3A_108 = vector.extract_strided_slice %mul3A_107 {offsets = [0, 0], sizes = [250, 512], strides = [1, 1]} : vector<256x512xf32> to vector<250x512xf32>
    %swap3A_109 = arith.constant 2 : index
    %swap3A_110 = arith.constant 0 : index
    %swap3A_111 = arith.constant 0 : index
    %swap3A_112 = vector.load %arg6[%swap3A_109, %swap3A_110, %swap3A_111] : memref<4x250x512xf32, #tpu.memory_space<vmem>>, vector<1x250x512xf32>
    %swap3A_113 = vector.shape_cast %swap3A_112 : vector<1x250x512xf32> to vector<250x512xf32>
    %swap3A_114 = vector.shape_cast %slice3A_108 : vector<250x512xf32> to vector<1x250x512xf32>
    tpu.vector_store %arg6[%swap3A_109, %swap3A_110, %swap3A_111], %swap3A_114 {strides = array<i32>} : memref<4x250x512xf32, #tpu.memory_space<vmem>>, vector<1x250x512xf32>,
    %get3A_115 = arith.constant 3 : index
    %get3A_116 = arith.constant 0 : index
    %get3A_117 = arith.constant 0 : index
    %get3A_118 = vector.load %arg1[%get3A_115, %get3A_116, %get3A_117] : memref<4x256x200xbf16, #tpu.memory_space<vmem>>, vector<1x256x200xbf16>
    %get3A_119 = vector.shape_cast %get3A_118 : vector<1x256x200xbf16> to vector<256x200xbf16>
    %get3A_120 = arith.constant 3 : index
    %get3A_121 = arith.constant 0 : index
    %get3A_122 = arith.constant 0 : index
    %get3A_123 = vector.load %arg3[%get3A_120, %get3A_121, %get3A_122] : memref<4x200x512xf32, #tpu.memory_space<vmem>>, vector<1x200x512xf32>
    %get3A_124 = vector.shape_cast %get3A_123 : vector<1x200x512xf32> to vector<200x512xf32>
    %convert_element_type3A_125 = arith.truncf %get3A_124 : vector<200x512xf32> to vector<200x512xbf16>
    %dot_general3A_126 = arith.constant dense<0.000000e+00> : vector<256x512xf32>
    %dot_general3A_127 = tpu.matmul %get3A_119, %convert_element_type3A_125, %dot_general3A_126 {dimension_numbers = #tpu.dot_dimension_numbers<[1], [0], [0], [1], [0, 0, 1, 1], [], []>, transpose_lhs_hint = false} : vector<256x200xbf16>, vector<200x512xbf16>, vector<256x512xf32> -> vector<256x512xf32>
    %get3A_128 = arith.constant 3 : index
    %get3A_129 = arith.constant 0 : index
    %get3A_130 = arith.constant 0 : index
    %get3A_131 = vector.load %arg2[%get3A_128, %get3A_129, %get3A_130] : memref<4x256x512xf32, #tpu.memory_space<vmem>>, vector<1x256x512xf32>
    %get3A_132 = vector.shape_cast %get3A_131 : vector<1x256x512xf32> to vector<256x512xf32>
    %add3A_133 = arith.addf %dot_general3A_127, %get3A_132 : vector<256x512xf32>
    %get3A_134 = arith.constant 0 : index
    %get3A_135 = arith.constant 0 : index
    %get3A_136 = vector.load %arg4[%get3A_134, %get3A_135] : memref<512x512xf32, #tpu.memory_space<vmem>>, vector<512x512xf32>
    %dot_general3A_137 = arith.constant dense<0.000000e+00> : vector<256x512xf32>
    %dot_general3A_138 = tpu.matmul %add3A_133, %get3A_136, %dot_general3A_137 {dimension_numbers = #tpu.dot_dimension_numbers<[1], [0], [0], [1], [0, 0, 1, 1], [], []>, transpose_lhs_hint = false} : vector<256x512xf32>, vector<512x512xf32>, vector<256x512xf32> -> vector<256x512xf32>
    %max3A_139 = arith.constant 0.000000e+00 : f32
    %max3A_140 = vector.broadcast %max3A_139 : f32 to vector<256x512xf32>
    %max3A_141 = arith.maximumf %dot_general3A_138, %max3A_140 : vector<256x512xf32>
    %get3A_142 = arith.constant 3 : index
    %get3A_143 = arith.constant 0 : index
    %get3A_144 = arith.constant 0 : index
    %get3A_145 = vector.load %arg5[%get3A_142, %get3A_143, %get3A_144] : memref<4x256x1xf32, #tpu.memory_space<vmem>>, vector<1x256x1xf32>
    %get3A_146 = vector.shape_cast %get3A_145 : vector<1x256x1xf32> to vector<256x1xf32>
    %mul3A_147 = vector.broadcast %get3A_146 : vector<256x1xf32> to vector<256x512xf32>
    %mul3A_148 = arith.mulf %max3A_141, %mul3A_147 : vector<256x512xf32>
    %slice3A_149 = vector.extract_strided_slice %mul3A_148 {offsets = [0, 0], sizes = [250, 512], strides = [1, 1]} : vector<256x512xf32> to vector<250x512xf32>
    %swap3A_150 = arith.constant 3 : index
    %swap3A_151 = arith.constant 0 : index
    %swap3A_152 = arith.constant 0 : index
    %swap3A_153 = vector.load %arg6[%swap3A_150, %swap3A_151, %swap3A_152] : memref<4x250x512xf32, #tpu.memory_space<vmem>>, vector<1x250x512xf32>
    %swap3A_154 = vector.shape_cast %swap3A_153 : vector<1x250x512xf32> to vector<250x512xf32>
    %swap3A_155 = vector.shape_cast %slice3A_149 : vector<250x512xf32> to vector<1x250x512xf32>
    tpu.vector_store %arg6[%swap3A_150, %swap3A_151, %swap3A_152], %swap3A_155 {strides = array<i32>} : memref<4x250x512xf32, #tpu.memory_space<vmem>>, vector<1x250x512xf32>,
    return
  }
  func.func @transform_0(%arg0: i32) -> (i32, i32, i32) {
    %c0_i32 = arith.constant 0 : i32
    %c0_i32_0 = arith.constant 0 : i32
    %c0_i32_1 = arith.constant 0 : i32
    return %arg0, %c0_i32, %c0_i32_0 : i32, i32, i32
  }
  func.func @transform_1(%arg0: i32) -> (i32, i32, i32) {
    %c0_i32 = arith.constant 0 : i32
    %c0_i32_0 = arith.constant 0 : i32
    %c0_i32_1 = arith.constant 0 : i32
    return %arg0, %c0_i32, %c0_i32_0 : i32, i32, i32
  }
  func.func @transform_2(%arg0: i32) -> (i32, i32, i32) {
    %c0_i32 = arith.constant 0 : i32
    %c0_i32_0 = arith.constant 0 : i32
    %c0_i32_1 = arith.constant 0 : i32
    return %arg0, %c0_i32, %c0_i32_0 : i32, i32, i32
  }
  func.func @transform_3(%arg0: i32) -> (i32, i32) {
    %c0_i32 = arith.constant 0 : i32
    %c0_i32_0 = arith.constant 0 : i32
    %c0_i32_1 = arith.constant 0 : i32
    return %c0_i32, %c0_i32_0 : i32, i32
  }
  func.func @transform_4(%arg0: i32) -> (i32, i32, i32) {
    %c0_i32 = arith.constant 0 : i32
    %c0_i32_0 = arith.constant 0 : i32
    %c0_i32_1 = arith.constant 0 : i32
    return %arg0, %c0_i32, %c0_i32_0 : i32, i32, i32
  }
  func.func @transform_5(%arg0: i32) -> (i32, i32, i32) {
    %c0_i32 = arith.constant 0 : i32
    %c0_i32_0 = arith.constant 0 : i32
    %c0_i32_1 = arith.constant 0 : i32
    return %arg0, %c0_i32, %c0_i32_0 : i32, i32, i32
  }
}

</mosaic_0001>

<sc_bundles>
// kernel: kernel.5.cloned.1.call-start
scs
__scs_entry_jumppad:
0x0: {  	(pc) =	sbr.rel $0x88, $3  }
0x1: {  	(tag) =	ssettag $0x0;
	lr =	simm.s32 $0x1  }
0x2: {  	[smem:$0x3F9B] =	sst lr;
	_ =	strace $0xD0000000  }
0x3: {  	_ = 	snop  }
0x4: {  	_ = 	snop  }
0x5: {  	_ = 	snop  }
0x6: {  	_ = 	snop  }
0x7: {  	_ = 	snop  }
__scs_overlays_trampoline_lowered:
0x8: {  	[smem:$0x3FAA] =	sst s0  }
0x9: {  	[smem:$0x3FAB] =	sst s1  }
0xa: {  	[smem:$0x3FAC] =	sst s2  }
0xb: {  	[smem:$0x3FAD] =	sst s3  }
0xc: {  	[smem:$0x3FAE] =	sst s4  }
0xd: {  	[smem:$0x3FAF] =	sst s5  }
0xe: {  	[smem:$0x3FB0] =	sst s6  }
0xf: {  	[smem:$0x3FB1] =	sst s7  }
0x10: {  	[smem:$0x3FB2] =	sst s8  }
0x11: {  	[smem:$0x3FB3] =	sst s9;
	s0 =	simm.s32 @!p0 $0x0  }
0x12: {  	s1 =	sld [smem:$0x3F99];
	s0 =	simm.s32 @p0 $0x1  }
0x13: {  	[smem:$0x3FB4] =	sst s0;
	s0 =	simm.s32 @!p1 $0x0  }
0x14: {  	s2 =	sld [smem:$0x3F98];
	s0 =	simm.s32 @p1 $0x1  }
0x15: {  	[smem:$0x3FB5] =	sst s0;
	s0 =	simm.s32 @!p2 $0x0  }
0x16: {  	s3 =	sld [smem:$0x3FDB];
	s0 =	simm.s32 @p2 $0x1  }
0x17: {  	s4 =	simm.s32 $0x1BF5;
	[smem:$0x3FB7] =	sst s0  }
0x18: {  	s0 =	sld [smem:$0x3F9A];
	_ =	swait.ge [sflag:s4], $0x0  }
0x19: {  	s7 =	sld [smem:$0x3F9B]  }
0x1a: {  	s8 =	sadd.s32 $0xFFFFE003, lr  }
0x1b: {  	s9 =	sadd.s32 $0xFFFFFEF7, lr;
	s5 =	simm.s32 $0xFFFFFFFF;
	p2 =	slt.u32 s8, $0xFFFFF086  }
0x1c: {  	p1 =	slt.u32 s9, $0xF7A;
	s5 =	simm.s32 @!p2 $0x0  }
0x1d: {  	s5 =	simm.s32 @p1 $0x1;
	p0 =	seq.s32 s7, s2  }
0x1e: {  	s7 =	smul.u32 @!p0 $0xF7A, s2;
	p2 =	seq.s32 @!p0 s5, $0x0  }
0x1f: {  	s9 =	smul.u32 $0xF7A, s1;
	s8 =	simm.s32 @!p0 $0x1BF5;
	p2 =	por !p2, p0  }
0x20: {  	[sflag:s8] =	ssyncset.s32 @!p0 $0xFFFFF086;
	s6 =	sadd.s32 @!p0 s3, s7;
	s7 =	simm.s32 @!p0 $0x108  }
0x21: {  	s3 =	sadd.s32 s3, s9;
	s6 =	sadd.s32 @!p0 $0x88, s6;
	s7 =	simm.s32 @p2 $0x1082  }
0x22: {  	[simem:s7], [sflag:s8] =	dma.local @!p0 [hbm:s6], $0xF7A  }
0x23: {  	s9 =	sor.u32 $0xD0000000, s2;
	s6 =	simm.s32 $0x108;
	_ =	swait.ge @!p0 [sflag:s8], $0x0  }
0x24: {  	s3 =	sadd.s32 $0x88, s3;
	s6 =	simm.s32 @!p1 $0x1082;
	[sflag:s4] =	ssyncset.s32 $0xFFFFF086  }
0x25: {  	[simem:s6], [sflag:s4] =	dma.local [hbm:s3], $0xF7A  }
0x26: {  	[smem:$0x3F9B] =	sst s1;
	(tag) =	ssettag s2;
	_ =	strace s9  }
0x27: {  	s1 =	sld [smem:$0x3FAB]  }
0x28: {  	s2 =	sld [smem:$0x3FAC]  }
0x29: {  	s4 =	sld [smem:$0x3FAE]  }
0x2a: {  	p0 =	seq.s32 s5, $0x0;
	s5 =	sld [smem:$0x3FAF]  }
0x2b: {  	s6 =	sld [smem:$0x3FB0]  }
0x2c: {  	s7 =	sld [smem:$0x3FB1]  }
0x2d: {  	s3 =	simm.s32 $0x108;
	s8 =	sld [smem:$0x3FB2]  }
0x2e: {  	s3 =	simm.s32 @!p0 $0x1082;
	s9 =	sld [smem:$0x3FB3]  }
0x2f: {  	lr =	sadd.s32 s0, s3;
	s0 =	sld [smem:$0x3FAA]  }
0x30: {  	s3 =	sld [smem:$0x3FAD]  }
0x31: {  	[smem:$0x3FB6] =	sst s10  }
0x32: {  	s10 =	sld [smem:$0x3FB4];
	_ =	sdelay $0x3  }
0x33: {  	p0 =	seq.s32 s10, $0x1;
	s10 =	sld [smem:$0x3FB6];
	_ =	sdelay $0x3  }
0x34: {  	[smem:$0x3FB6] =	sst s10  }
0x35: {  	s10 =	sld [smem:$0x3FB5];
	_ =	sdelay $0x3  }
0x36: {  	p1 =	seq.s32 s10, $0x1;
	s10 =	sld [smem:$0x3FB6];
	_ =	sdelay $0x3  }
0x37: {  	[smem:$0x3FB6] =	sst s10  }
0x38: {  	s10 =	sld [smem:$0x3FB7]  }
0x39: {  	_ = 	snop;
	(pc) =	sbr.ind lr, $3  }
0x3a: {  	_ = 	snop  }
0x3b: {  	_ = 	snop  }
0x3c: {  	p2 =	seq.s32 s10, $0x1;
	s10 =	sld [smem:$0x3FB6]  }
0x3d: {  	_ =	shalt  }
0x3e: {  	_ =	shalt  }
0x3f: {  	_ =	shalt  }
0x40: {  	_ =	shalt  }
0x41: {  	_ =	shalt  }
0x42: {  	_ =	shalt  }
0x43: {  	_ =	shalt  }
0x44: {  	_ =	shalt  }
0x45: {  	_ =	shalt  }
0x46: {  	_ =	shalt  }
0x47: {  	_ =	shalt  }
0x48: {  	_ =	shalt  }
0x49: {  	_ =	shalt  }
0x4a: {  	_ =	shalt  }
0x4b: {  	_ =	shalt  }
0x4c: {  	_ =	shalt  }
0x4d: {  	_ =	shalt  }
0x4e: {  	_ =	shalt  }
0x4f: {  	_ =	shalt  }
0x50: {  	_ =	shalt  }
0x51: {  	_ =	shalt  }
0x52: {  	_ =	shalt  }
0x53: {  	_ =	shalt  }
0x54: {  	_ =	shalt  }
0x55: {  	_ =	shalt  }
0x56: {  	_ =	shalt  }
0x57: {  	_ =	shalt  }
0x58: {  	_ =	shalt  }
0x59: {  	_ =	shalt  }
0x5a: {  	_ =	shalt  }
0x5b: {  	_ =	shalt  }
0x5c: {  	_ =	shalt  }
0x5d: {  	_ =	shalt  }
0x5e: {  	_ =	shalt  }
0x5f: {  	_ =	shalt  }
0x60: {  	_ =	shalt  }
0x61: {  	_ =	shalt  }
0x62: {  	_ =	shalt  }
0x63: {  	_ =	shalt  }
0x64: {  	_ =	shalt  }
0x65: {  	_ =	shalt  }
0x66: {  	_ =	shalt  }
0x67: {  	_ =	shalt  }
0x68: {  	_ =	shalt  }
0x69: {  	_ =	shalt  }
0x6a: {  	_ =	shalt  }
0x6b: {  	_ =	shalt  }
0x6c: {  	_ =	shalt  }
0x6d: {  	_ =	shalt  }
0x6e: {  	_ =	shalt  }
0x6f: {  	_ =	shalt  }
0x70: {  	_ =	shalt  }
0x71: {  	_ =	shalt  }
0x72: {  	_ =	shalt  }
0x73: {  	_ =	shalt  }
0x74: {  	_ =	shalt  }
0x75: {  	_ =	shalt  }
0x76: {  	_ =	shalt  }
0x77: {  	_ =	shalt  }
0x78: {  	_ =	shalt  }
0x79: {  	_ =	shalt  }
0x7a: {  	_ =	shalt  }
0x7b: {  	_ =	shalt  }
0x7c: {  	_ =	shalt  }
0x7d: {  	_ =	shalt  }
0x7e: {  	_ =	shalt  }
0x7f: {  	_ =	shalt  }
0x80: {  	_ =	shalt  }
0x81: {  	_ =	shalt  }
0x82: {  	_ =	shalt  }
0x83: {  	_ =	shalt  }
0x84: {  	_ =	shalt  }
0x85: {  	_ =	shalt  }
0x86: {  	_ =	shalt  }
0x87: {  	_ =	shalt  }
.Lfunc_end0:
.L_simem_size_0:
called_computation_lowered:
.L_overlay_start_0:
0x88: {  	s2 =	sld [smem:$0x3FD9]  }
0x89: {  	s3 =	sld [smem:$0x3FFE];
	_ =	sdelay $0x1  }
0x8a: {  	s1 =	srdreg.scid  }
0x8b: {  	s0 =	sand.u32 $0x1, s1  }
0x8c: {  	s17 =	sshll.u32 s0, $0xA;
	s2 =	sadd.s32 s3, s2  }
0x8d: {  	s2 =	sadd.s32 s2, s17  }
0x8e: {  	[smem:$0x3FC2] =	sst s2  }
0x8f: {  	_ = 	snop  }
0x90: {  	s2 =	sld [smem:$0x3FC9]  }
0x91: {  	s18 =	sld [smem:$0x3FD0];
	(tm) =	ssettm $0x1  }
0x92: {  	s4 =	sld [smem:$0x3FFB];
	_ =	sdelay $0x3  }
0x93: {  	_ =	strace s4  }
0x94: {  	s4 =	sld [smem:$0x3FFC];
	_ =	sdelay $0x3  }
0x95: {  	_ =	strace s4  }
0x96: {  	s4 =	sld [smem:$0x3FFD];
	_ =	sdelay $0x3  }
0x97: {  	_ =	strace s4  }
0x98: {  	_ =	strace $0x8FFFFFFF  }
0x99: {  	s19 =	sld [smem:$0x3FDB];
	_ =	sdelay $0x1  }
0x9a: {  	s5 =	simm.s32 $_scs_section_size  }
0x9b: {  	s6 =	simm.s32 $_size__tile_overlayer_lowered;
	s7 =	simm.s32 $_tile_overlayer_lowered  }
0x9c: {  	s22 =	simm.s32 $0x1BFF;
	s21 =	sshll.u32 s7, $0x1;
	s4 =	sadd.s32 s5, s19  }
0x9d: {  	s8 =	simm.s32 $0x0;
	s20 =	sshll.u32 s6, $0x1;
	s6 =	sadd.s32 s21, s4  }
0x9e: {  	[timem:s8], [sflag:s22] =	dma.local [hbm:s6], s20  }
0x9f: {  	_ =	swait.ge [sflag:s22], s20  }
0xa0: {  	s5 =	ssub.s32 $0x0, s20;
	[sflag:s22] =	ssyncset.done $0x0  }
0xa1: {  	[sflag:s22] =	ssyncadd.s32 s5;
	_ =	sdelay $0x1  }
0xa2: {  	s23 =	simm.s32 $0x1B8B  }
0xa3: {  	_ =	swait.ge [sflag:s23], $0x1  }
0xa4: {  	[sflag:s23] =	ssyncset.done $0x0  }
0xa5: {  	s25 =	simm.s32 $0x1B8E;
	s24 =	sld [smem:$0x3FFE];
	[sflag:s23] =	ssyncadd.s32 $0xFFFFFFFF  }
0xa6: {  	s26 =	simm.s32 $execute0_lowered;
	[smem:$0x3FD2] =	sst s25  }
0xa7: {  	s6 =	sshll.u32 s26, $0x1;
	_ =	strace $0x80000046;
	[dreg:$0x1] =	wrdreg $0xFFFFFFFF  }
0xa8: {  	s28 =	simm.s32 $_size_execute0_lowered;
	s4 =	sadd.s32 s4, s6;
	[dreg:$0x0] =	wrdreg $0x0  }
0xa9: {  	s6 =	sshll.u32 s28, $0x1;
	[dreg:$0x2] =	wrdreg s4  }
0xaa: {  	[dreg:$0x3] =	wrdreg s6  }
0xab: {  	[dreg:$0x4] =	wrdreg $0xC0  }
0xac: {  	_ =	task [dreg:s8], $0x5FFFF  }
0xad: {  	[dreg:$0x1] =	wrdreg $0xFFFFFFFF  }
0xae: {  	[dreg:$0x0] =	wrdreg $0x60  }
0xaf: {  	[dreg:$0x2] =	wrdreg s2  }
0xb0: {  	[dreg:$0x3] =	wrdreg s18  }
0xb1: {  	[dreg:$0x4] =	wrdreg s24  }
0xb2: {  	[dreg:$0x5] =	wrdreg $0x9  }
0xb3: {  	_ =	task.clear_ibuf [dreg:s8], $0x6FFFF;
	_ =	strace $0x90000046  }
0xb4: {  	s29 =	simm.s32 $0x9;
	_ =	strace $0x80000048  }
0xb5: {  	_ =	swait.ge [sflag:s29], $0x1  }
0xb6: {  	[sflag:s29] =	ssyncadd.s32 $0xFFFFFFFF  }
0xb7: {  	_ =	strace $0x90000048  }
0xb8: {  	_ =	sfence  }
0xb9: {  	s30 =	sld [smem:$0x0];
	_ =	sdelay $0x2  }
0xba: {  	s31 =	sshll.u32 s1, $0xD;
	s1 =	sshrl.u32 s1, $0x2  }
0xbb: {  	s3 =	sand.u32 $0x4000, s31;
	s1 =	sadd.s32 s1, s30  }
0xbc: {  	s0 =	sor.u32 s3, s0;
	s1 =	sshll.u32 s1, $0x11  }
0xbd: {  	s0 =	sor.u32 s1, s0  }
0xbe: {  	s0 =	sadd.s32 $0x8F2B, s0  }
0xbf: {  	[sflag:s0] =	ssyncadd.remote.s32 $0x1  }
0xc0: {  	_ =	sfence.sel $0xFFFF  }
0xc1: {  	[dreg:$0x0] =	wrdreg $0xFFFFFFFF;
	(pc) =	sbr.abs _section_cstart, $3  }
0xc2: {  	[dreg:$0x1] =	wrdreg $0xFFFFFFFF  }
0xc3: {  	_ =	task.clear_ibuf [dreg:s8], $0x2FFFF;
	_ =	strace $0x9FFFFFFF  }
0xc4: {  	(tm) =	ssettm $0x7FFFFFFF  }
0xc5: {  	_ =	shalt  }
tec
execute0_lowered:
.L_overlay_start_1:
0x0: {  	(tag) =	ssettag $0x1  }
0x1: {  	s1 =	srdreg.scid;
	s5 =	rddreg [dreg:$0x1]  }
0x2: {  	s0 =	stileid.u32;
	s3 =	simm.s32 $0x1;
	s6 =	rddreg [dreg:$0x2]  }
0x3: {  	s18 =	simm.s32 $0x880;
	s2 =	sand.u32 $0x1, s1;
	s16 =	sshll.u32 s0, $0x1  }
0x4: {  	s19 =	simm.s32 $0x1080;
	s21 =	simm.s32 $0x1880;
	s4 =	sor.u32 s2, s16  }
0x5: {  	s22 =	simm.s32 $0x2080;
	p1 =	seq.s32 s2, $0x1;
	p0 =	seq.s32 s4, $0x0  }
0x6: {  	s23 =	simm.s32 $0x2880;
	s24 =	simm.s32 $0x3080;
	p0 =	por !p0, !p1  }
0x7: {  	s25 =	simm.s32 $0x3880;
	s26 =	simm.s32 $0x4080;
	p0 =	por !p0, !p0  }
0x8: {  	s10 =	simm.s32 $0x5080;
	s11 =	simm.s32 $0x5880;
	s3 =	simm.s32 @!p0 $0x0  }
0x9: {  	s12 =	simm.s32 $0x6080;
	s1 =	rddreg [dreg:$0x0];
	s3 =	ssub.s32 s0, s3  }
0xa: {  	s4 =	sshll.u32 s4, $0x4;
	s7 =	sshll.u32 s3, $0x11;
	s3 =	simm.s32 $0x0  }
0xb: {  	s13 =	simm.s32 $0x6880;
	s4 =	sadd.s32 s5, s4;
	[smem:$0x7FF] =	sst s3  }
0xc: {  	s14 =	simm.s32 $0x7080;
	_ =	strace $0x80000047;
	[dreg:$0x4] =	wrdreg s4  }
0xd: {  	s15 =	simm.s32 $0x7880;
	s28 =	simm.s32 $0xD880;
	[dreg:$0x6] =	wrdreg s18  }
0xe: {  	s29 =	simm.s32 $0xE080;
	s30 =	simm.s32 $0xE880;
	[dreg:$0x7] =	wrdreg s19  }
0xf: {  	s8 =	sshll.u32 s2, $0x10;
	s2 =	ssub.s32 $0x2, s2;
	[dreg:$0x8] =	wrdreg s21  }
0x10: {  	s31 =	simm.s32 $0xF080;
	s20 =	sshrl.u32 s2, $0x1;
	[dreg:$0x9] =	wrdreg s22  }
0x11: {  	s16 =	simm.s32 $0x8080;
	s2 =	ssub.s32 s2, s20;
	[dreg:$0xa] =	wrdreg s23  }
0x12: {  	s5 =	sadd.s32 $0x100, s1;
	s20 =	simm.s32 $0xA080;
	[dreg:$0xb] =	wrdreg s24  }
0x13: {  	s7 =	sor.u32 s8, s7;
	s8 =	simm.s32 $0x80;
	[dreg:$0xc] =	wrdreg s25  }
0x14: {  	s7 =	sshrl.u32 s7, $0x3;
	s4 =	simm.s32 $0x1;
	[dreg:$0xd] =	wrdreg s26  }
0x15: {  	s18 =	simm.s32 $0x9080;
	s19 =	simm.s32 $0x9880;
	s21 =	simm.s32 $0xA880  }
0x16: {  	s22 =	simm.s32 $0xB080;
	s23 =	simm.s32 $0xB880;
	s24 =	simm.s32 $0xC080  }
0x17: {  	v2 =	vlaneseq.u32;
	s25 =	simm.s32 $0xC880;
	s26 =	simm.s32 $0xD080;
	s6 =	sadd.s32 s7, s6  }
0x18: {  	vm0 =	vmmov $0xffff;
	v1 =	vshrl.u32 v2, $0x3;
	s7 =	simm.s32 $0x2;
	s17 =	sadd.s32 $0xC00, s6;
	s6 =	smax.u32 s2, $0x1  }
0x19: {  	v0 =	vand.u32 $0x7, v2;
	v2 =	vor.u32 $0x8, v2;
	v1 =	vmul.u32 $0x8, v1;
	s2 =	simm.s32 $0xF880;
	[dreg:$0x5] =	wrdreg s17;
	s17 =	simm.s32 $0x8880  }
.LBB2_1:
0x1a: {  	s0 =	rddreg [dreg:$0x4]  }
0x1b: {  	[tilespmem:s3], [sflag:$0x2] =	stream.linear.gather [hbm4b:s0+s3], $0x80, $0x38;
	[tilespmem:$0x10080] =	vst v63  }
0x1c: {  	_ =	swait.ge [sflag:s7], $0x80  }
0x1d: {  	[sflag:s7] =	ssyncset.done $0x0  }
0x1e: {  	[sflag:s7] =	ssyncadd.s32 $0xFFFFFF80  }
0x1f: {  	v3 =	vld [tilespmem:$0x0];
	_ =	sdelay $0x4  }
0x20: {  	v4 =	vshll.u32 v3, $0x2  }
0x21: {  	v3 =	vand.u32 $0x7, v3;
	v4 =	vand.u32 $0xFFFFFFE0, v4  }
0x22: {  	v3 =	vor.u32 v3, v4  }
0x23: {  	v4 =	vperm.xlane v3, v0;
	_ =	sdelay $0x1  }
0x24: {  	v4 =	vadd.s32 v1, v4;
	_ =	sdelay $0x1  }
0x25: {  	v3 =	vperm.xlane v3, v2;
	_ =	sdelay $0x1  }
0x26: {  	v3 =	vadd.s32 v1, v3  }
0x27: {  	[tilespmem:s8], [sflag:$0x1] =	stream.indirect_vreg.gather [hbm4b:s1+s3], $0x80, v4, vm0, $0xb8;
	[tilespmem:$0x10080] =	vst v63  }
0x28: {  	s0 =	rddreg [dreg:$0x6]  }
0x29: {  	[tilespmem:s0], [sflag:$0x1] =	stream.indirect_vreg.gather [hbm4b:s5+s3], $0x80, v4, vm0, $0xb8;
	[tilespmem:$0x10080] =	vst v63  }
0x2a: {  	s9 =	rddreg [dreg:$0x7]  }
0x2b: {  	[tilespmem:s9], [sflag:$0x1] =	stream.indirect_vreg.gather [hbm4b:s1+s3], $0x80, v3, vm0, $0xb8;
	[tilespmem:$0x10080] =	vst v63  }
0x2c: {  	s0 =	rddreg [dreg:$0x8]  }
0x2d: {  	[tilespmem:s0], [sflag:$0x1] =	stream.indirect_vreg.gather [hbm4b:s5+s3], $0x80, v3, vm0, $0xb8;
	[tilespmem:$0x10080] =	vst v63  }
0x2e: {  	v3 =	vld [tilespmem:$0x10];
	_ =	sdelay $0x4  }
0x2f: {  	v57 =	vshll.u32 v3, $0x2  }
0x30: {  	v3 =	vand.u32 $0x7, v3;
	v4 =	vand.u32 $0xFFFFFFE0, v57  }
0x31: {  	v3 =	vor.u32 v3, v4  }
0x32: {  	v4 =	vperm.xlane v3, v0;
	_ =	sdelay $0x1  }
0x33: {  	v4 =	vadd.s32 v1, v4;
	_ =	sdelay $0x1  }
0x34: {  	v3 =	vperm.xlane v3, v2;
	_ =	sdelay $0x1  }
0x35: {  	s0 =	rddreg [dreg:$0x9];
	v3 =	vadd.s32 v1, v3  }
0x36: {  	[tilespmem:s0], [sflag:$0x1] =	stream.indirect_vreg.gather [hbm4b:s1+s3], $0x80, v4, vm0, $0xb8;
	[tilespmem:$0x10080] =	vst v63  }
0x37: {  	s9 =	rddreg [dreg:$0xa]  }
0x38: {  	[tilespmem:s9], [sflag:$0x1] =	stream.indirect_vreg.gather [hbm4b:s5+s3], $0x80, v4, vm0, $0xb8;
	[tilespmem:$0x10080] =	vst v63  }
0x39: {  	s0 =	rddreg [dreg:$0xb]  }
0x3a: {  	[tilespmem:s0], [sflag:$0x1] =	stream.indirect_vreg.gather [hbm4b:s1+s3], $0x80, v3, vm0, $0xb8;
	[tilespmem:$0x10080] =	vst v63  }
0x3b: {  	s9 =	rddreg [dreg:$0xc]  }
0x3c: {  	[tilespmem:s9], [sflag:$0x1] =	stream.indirect_vreg.gather [hbm4b:s5+s3], $0x80, v3, vm0, $0xb8;
	[tilespmem:$0x10080] =	vst v63  }
0x3d: {  	v3 =	vld [tilespmem:$0x20];
	_ =	sdelay $0x4  }
0x3e: {  	v58 =	vshll.u32 v3, $0x2  }
0x3f: {  	v3 =	vand.u32 $0x7, v3;
	v4 =	vand.u32 $0xFFFFFFE0, v58  }
0x40: {  	v3 =	vor.u32 v3, v4  }
0x41: {  	v4 =	vperm.xlane v3, v0;
	_ =	sdelay $0x1  }
0x42: {  	v4 =	vadd.s32 v1, v4;
	_ =	sdelay $0x1  }
0x43: {  	v3 =	vperm.xlane v3, v2;
	_ =	sdelay $0x1  }
0x44: {  	s9 =	rddreg [dreg:$0xd];
	v3 =	vadd.s32 v1, v3  }
0x45: {  	[tilespmem:s9], [sflag:$0x1] =	stream.indirect_vreg.gather [hbm4b:s1+s3], $0x80, v4, vm0, $0xb8;
	[tilespmem:$0x10080] =	vst v63  }
0x46: {  	s9 =	simm.s32 $0x4880  }
0x47: {  	[tilespmem:s9], [sflag:$0x1] =	stream.indirect_vreg.gather [hbm4b:s5+s3], $0x80, v4, vm0, $0xb8;
	[tilespmem:$0x10080] =	vst v63  }
0x48: {  	_ = 	snop  }
0x49: {  	[tilespmem:s10], [sflag:$0x1] =	stream.indirect_vreg.gather [hbm4b:s1+s3], $0x80, v3, vm0, $0xb8;
	[tilespmem:$0x10080] =	vst v63  }
0x4a: {  	_ = 	snop  }
0x4b: {  	[tilespmem:s11], [sflag:$0x1] =	stream.indirect_vreg.gather [hbm4b:s5+s3], $0x80, v3, vm0, $0xb8;
	[tilespmem:$0x10080] =	vst v63  }
0x4c: {  	v3 =	vld [tilespmem:$0x30];
	_ =	sdelay $0x4  }
0x4d: {  	v59 =	vshll.u32 v3, $0x2  }
0x4e: {  	v3 =	vand.u32 $0x7, v3;
	v4 =	vand.u32 $0xFFFFFFE0, v59  }
0x4f: {  	v3 =	vor.u32 v3, v4  }
0x50: {  	v4 =	vperm.xlane v3, v0;
	_ =	sdelay $0x1  }
0x51: {  	v4 =	vadd.s32 v1, v4;
	_ =	sdelay $0x1  }
0x52: {  	v3 =	vperm.xlane v3, v2;
	_ =	sdelay $0x1  }
0x53: {  	v3 =	vadd.s32 v1, v3  }
0x54: {  	[tilespmem:s12], [sflag:$0x1] =	stream.indirect_vreg.gather [hbm4b:s1+s3], $0x80, v4, vm0, $0xb8;
	[tilespmem:$0x10080] =	vst v63  }
0x55: {  	_ = 	snop  }
0x56: {  	[tilespmem:s13], [sflag:$0x1] =	stream.indirect_vreg.gather [hbm4b:s5+s3], $0x80, v4, vm0, $0xb8;
	[tilespmem:$0x10080] =	vst v63  }
0x57: {  	_ = 	snop  }
0x58: {  	[tilespmem:s14], [sflag:$0x1] =	stream.indirect_vreg.gather [hbm4b:s1+s3], $0x80, v3, vm0, $0xb8;
	[tilespmem:$0x10080] =	vst v63  }
0x59: {  	_ = 	snop  }
0x5a: {  	[tilespmem:s15], [sflag:$0x1] =	stream.indirect_vreg.gather [hbm4b:s5+s3], $0x80, v3, vm0, $0xb8;
	[tilespmem:$0x10080] =	vst v63  }
0x5b: {  	v3 =	vld [tilespmem:$0x40];
	_ =	sdelay $0x4  }
0x5c: {  	v60 =	vshll.u32 v3, $0x2  }
0x5d: {  	v3 =	vand.u32 $0x7, v3;
	v4 =	vand.u32 $0xFFFFFFE0, v60  }
0x5e: {  	v3 =	vor.u32 v3, v4  }
0x5f: {  	v4 =	vperm.xlane v3, v0;
	_ =	sdelay $0x1  }
0x60: {  	v4 =	vadd.s32 v1, v4;
	_ =	sdelay $0x1  }
0x61: {  	v3 =	vperm.xlane v3, v2;
	_ =	sdelay $0x1  }
0x62: {  	v3 =	vadd.s32 v1, v3  }
0x63: {  	[tilespmem:s16], [sflag:$0x1] =	stream.indirect_vreg.gather [hbm4b:s1+s3], $0x80, v4, vm0, $0xb8;
	[tilespmem:$0x10080] =	vst v63  }
0x64: {  	_ = 	snop  }
0x65: {  	[tilespmem:s17], [sflag:$0x1] =	stream.indirect_vreg.gather [hbm4b:s5+s3], $0x80, v4, vm0, $0xb8;
	[tilespmem:$0x10080] =	vst v63  }
0x66: {  	_ = 	snop  }
0x67: {  	[tilespmem:s18], [sflag:$0x1] =	stream.indirect_vreg.gather [hbm4b:s1+s3], $0x80, v3, vm0, $0xb8;
	[tilespmem:$0x10080] =	vst v63  }
0x68: {  	_ = 	snop  }
0x69: {  	[tilespmem:s19], [sflag:$0x1] =	stream.indirect_vreg.gather [hbm4b:s5+s3], $0x80, v3, vm0, $0xb8;
	[tilespmem:$0x10080] =	vst v63  }
0x6a: {  	v3 =	vld [tilespmem:$0x50];
	_ =	sdelay $0x4  }
0x6b: {  	v61 =	vshll.u32 v3, $0x2  }
0x6c: {  	v3 =	vand.u32 $0x7, v3;
	v4 =	vand.u32 $0xFFFFFFE0, v61  }
0x6d: {  	v3 =	vor.u32 v3, v4  }
0x6e: {  	v4 =	vperm.xlane v3, v0;
	_ =	sdelay $0x1  }
0x6f: {  	v4 =	vadd.s32 v1, v4;
	_ =	sdelay $0x1  }
0x70: {  	v3 =	vperm.xlane v3, v2;
	_ =	sdelay $0x1  }
0x71: {  	v3 =	vadd.s32 v1, v3  }
0x72: {  	[tilespmem:s20], [sflag:$0x1] =	stream.indirect_vreg.gather [hbm4b:s1+s3], $0x80, v4, vm0, $0xb8;
	[tilespmem:$0x10080] =	vst v63  }
0x73: {  	_ = 	snop  }
0x74: {  	[tilespmem:s21], [sflag:$0x1] =	stream.indirect_vreg.gather [hbm4b:s5+s3], $0x80, v4, vm0, $0xb8;
	[tilespmem:$0x10080] =	vst v63  }
0x75: {  	_ = 	snop  }
0x76: {  	[tilespmem:s22], [sflag:$0x1] =	stream.indirect_vreg.gather [hbm4b:s1+s3], $0x80, v3, vm0, $0xb8;
	[tilespmem:$0x10080] =	vst v63  }
0x77: {  	_ = 	snop  }
0x78: {  	[tilespmem:s23], [sflag:$0x1] =	stream.indirect_vreg.gather [hbm4b:s5+s3], $0x80, v3, vm0, $0xb8;
	[tilespmem:$0x10080] =	vst v63  }
0x79: {  	v3 =	vld [tilespmem:$0x60];
	_ =	sdelay $0x4  }
0x7a: {  	v62 =	vshll.u32 v3, $0x2  }
0x7b: {  	v3 =	vand.u32 $0x7, v3;
	v4 =	vand.u32 $0xFFFFFFE0, v62  }
0x7c: {  	v3 =	vor.u32 v3, v4  }
0x7d: {  	v4 =	vperm.xlane v3, v0;
	_ =	sdelay $0x1  }
0x7e: {  	v4 =	vadd.s32 v1, v4;
	_ =	sdelay $0x1  }
0x7f: {  	v3 =	vperm.xlane v3, v2;
	_ =	sdelay $0x1  }
0x80: {  	v3 =	vadd.s32 v1, v3  }
0x81: {  	[tilespmem:s24], [sflag:$0x1] =	stream.indirect_vreg.gather [hbm4b:s1+s3], $0x80, v4, vm0, $0xb8;
	[tilespmem:$0x10080] =	vst v63  }
0x82: {  	_ = 	snop  }
0x83: {  	[tilespmem:s25], [sflag:$0x1] =	stream.indirect_vreg.gather [hbm4b:s5+s3], $0x80, v4, vm0, $0xb8;
	[tilespmem:$0x10080] =	vst v63  }
0x84: {  	_ = 	snop  }
0x85: {  	[tilespmem:s26], [sflag:$0x1] =	stream.indirect_vreg.gather [hbm4b:s1+s3], $0x80, v3, vm0, $0xb8;
	[tilespmem:$0x10080] =	vst v63  }
0x86: {  	_ = 	snop  }
0x87: {  	[tilespmem:s28], [sflag:$0x1] =	stream.indirect_vreg.gather [hbm4b:s5+s3], $0x80, v3, vm0, $0xb8;
	[tilespmem:$0x10080] =	vst v63  }
0x88: {  	v3 =	vld [tilespmem:$0x70];
	_ =	sdelay $0x4  }
0x89: {  	v63 =	vshll.u32 v3, $0x2  }
0x8a: {  	v3 =	vand.u32 $0x7, v3;
	v4 =	vand.u32 $0xFFFFFFE0, v63  }
0x8b: {  	v3 =	vor.u32 v3, v4  }
0x8c: {  	v4 =	vperm.xlane v3, v0;
	_ =	sdelay $0x1  }
0x8d: {  	v4 =	vadd.s32 v1, v4;
	_ =	sdelay $0x1  }
0x8e: {  	v3 =	vperm.xlane v3, v2;
	_ =	sdelay $0x1  }
0x8f: {  	v3 =	vadd.s32 v1, v3  }
0x90: {  	[tilespmem:s29], [sflag:$0x1] =	stream.indirect_vreg.gather [hbm4b:s1+s3], $0x80, v4, vm0, $0xb8;
	[tilespmem:$0x10080] =	vst v63  }
0x91: {  	_ = 	snop  }
0x92: {  	[tilespmem:s30], [sflag:$0x1] =	stream.indirect_vreg.gather [hbm4b:s5+s3], $0x80, v4, vm0, $0xb8;
	[tilespmem:$0x10080] =	vst v63  }
0x93: {  	_ = 	snop  }
0x94: {  	[tilespmem:s31], [sflag:$0x1] =	stream.indirect_vreg.gather [hbm4b:s1+s3], $0x80, v3, vm0, $0xb8;
	[tilespmem:$0x10080] =	vst v63  }
0x95: {  	_ = 	snop  }
0x96: {  	[tilespmem:s2], [sflag:$0x1] =	stream.indirect_vreg.gather [hbm4b:s5+s3], $0x80, v3, vm0, $0xb8;
	[tilespmem:$0x10080] =	vst v63  }
0x97: {  	_ =	swait.ge [sflag:s4], $0x10000  }
0x98: {  	p0 =	sne.s32 s6, $0x1;
	[sflag:s4] =	ssyncset.done $0x0  }
.Ltmp0:
0x99: {  	s9 =	rddreg [dreg:$0x5];
	[sflag:s4] =	ssyncadd.s32 $0xFFFF0000;
	(pc) =	sbr.rel @p0 .LBB2_1-.Ltmp0, $4  }
0x9a: {  	[hbm4b:s9+s3] =	stream.linear.scatter [tilespmem:s8], [sflag:$0x2], $0x10000, $0x38;
	[tilespmem:$0x10080] =	vst v63  }
0x9b: {  	_ =	swait.ge [sflag:s7], $0x10000  }
0x9c: {  	[sflag:s7] =	ssyncset.done $0x0  }
0x9d: {  	s6 =	sadd.s32 $0xFFFFFFFF, s6;
	[sflag:s7] =	ssyncadd.s32 $0xFFFF0000  }
0x9e: {  	_ =	sfence.sel $0x180000  }
0x9f: {  	[bflag:$0x0] =	sbarrier.arrive $0xFFFF  }
0xa0: {  	_ =	strace $0x90000047  }
0xa1: {  	s0 =	stileid.u32;
	[bflag:$0x2] =	sbarrier.arrive $0xFFFF  }
0xa2: {  	p0 =	sne.s32 s0, $0x0;
	s0 =	rddreg [dreg:$0x3]  }
0xa3: {  	s0 =	sadd.s32 @!p0 $0x100000, s0  }
0xa4: {  	[sflag:s0] =	ssyncadd.tile.s32 @!p0 $0x1;
	_ =	shalt  }
.Lfunc_end2:
_tile_overlayer_lowered:
.L_overlay_start_2:
0xa5: {  	(tag) =	ssettag $0x2  }
0xa6: {  	s0 =	rddreg [dreg:$0x0];
	s2 =	stileid.u32  }
0xa7: {  	s1 =	rddreg [dreg:$0x1];
	p0 =	sne.s32 s2, $0x0  }
0xa8: {  	s3 =	rddreg [dreg:$0x2];
	[bflag:$0x3] =	sbarrier.arrive $0xFFFF;
	s2 =	simm.s32 @!p0 $0x1C02  }
0xa9: {  	[timem:s3], [sflag:s2] =	dma.local @!p0 [hbm:s0], s1  }
0xaa: {  	s0 =	simm.s32 @!p0 $0x2  }
0xab: {  	_ =	swait.ge @!p0 [sflag:s0], s1  }
0xac: {  	s1 =	ssub.s32 @!p0 $0x0, s1;
	[sflag:s0] =	ssyncset.done @!p0 $0x0  }
0xad: {  	[sflag:s0] =	ssyncadd.s32 @!p0 s1  }
0xae: {  	[bflag:$0x3] =	sbarrier.arrive $0xFFFF  }
0xaf: {  	_ =	shalt  }

</sc_bundles>
